<compile_context>
chip_gen: v7x
topology: tpu7x:2x2x1
jax: 0.10.2.dev20260603
libtpu: 0.0.44.dev20260713+nightly
codegen_flags: <defaults>
</compile_context>

<pallas_src>
import jax
import jax.numpy as jnp
from jax import lax
from jax.experimental import pallas as pl
from jax.experimental.pallas import tpu as pltpu
from jax.experimental.pallas import tpu_sc as plsc

_NC = 2
_NS = 16
_NW = _NC * _NS
_B = 16384
_BPW = _B // _NW
_CHUNK = 64
_NCHUNK = _BPW // _CHUNK


def _gather_body(table_hbm, idx_hbm, out_hbm, idx_v, vals_v, isem, gsem, osem):
    wid = lax.axis_index("s") * _NC + lax.axis_index("c")
    base = wid * _BPW
    icopies = [
        pltpu.async_copy(
            idx_hbm.at[pl.ds(base + c * _CHUNK, _CHUNK)],
            idx_v.at[pl.ds(c * _CHUNK, _CHUNK)],
            isem.at[c],
        )
        for c in range(_NCHUNK)
    ]
    gcopies = []
    for c in range(_NCHUNK):
        icopies[c].wait()
        gcopies.append(
            pltpu.async_copy(
                table_hbm.at[idx_v.at[pl.ds(c * _CHUNK, _CHUNK)]],
                vals_v.at[pl.ds(c * _CHUNK, _CHUNK)],
                gsem.at[c],
            )
        )
    ocopies = []
    for c in range(_NCHUNK):
        gcopies[c].wait()
        ocopies.append(
            pltpu.async_copy(
                vals_v.at[pl.ds(c * _CHUNK, _CHUNK)],
                out_hbm.at[pl.ds(base + c * _CHUNK, _CHUNK)],
                osem.at[c],
            )
        )
    for oc in ocopies:
        oc.wait()


def kernel(pop_per_item, cur_user, prev_item, target_item, norm):
    mesh = plsc.VectorSubcoreMesh(core_axis_name="c", subcore_axis_name="s")
    gather = pl.kernel(
        _gather_body,
        mesh=mesh,
        out_type=jax.ShapeDtypeStruct((_B,), jnp.float32),
        scratch_types=[
            pltpu.VMEM((_BPW,), jnp.int32),
            pltpu.VMEM((_BPW,), jnp.float32),
            pltpu.SemaphoreType.DMA((_NCHUNK,)),
            pltpu.SemaphoreType.DMA((_NCHUNK,)),
            pltpu.SemaphoreType.DMA((_NCHUNK,)),
        ],
    )
    return gather(pop_per_item, target_item)

# --- scband reference (transcript-rebuilt; emitter-appended) ---
"""Pipeline reference for scband-pop-rec-50173807952619 (READ-ONLY COPY).

The authoritative reference and input builder live on the scoring server;
editing this copy changes nothing except your own understanding.
"""

import jax, jax.numpy as jnp
import numpy as np

N_ITEMS = 1000000
N_USERS = 100000
BATCH = 16384

def setup_inputs(seed: int = 0) -> dict:
    key = jax.random.key(seed)
    k1, k2, k3, k4 = jax.random.split(key, 4)
    # Popularity counts per item (nonnegative floats, like accumulated interaction counts)
    pop_per_item = jax.random.uniform(k1, (N_ITEMS,), dtype=jnp.float32, minval=0.0, maxval=1000.0)
    cur_user = jax.random.randint(k2, (BATCH,), 0, N_USERS, dtype=jnp.int64 if jax.config.jax_enable_x64 else jnp.int32).astype(jnp.int32)
    prev_item = jax.random.randint(k3, (BATCH,), 0, N_ITEMS, dtype=jnp.int32)
    target_item = jax.random.randint(k4, (BATCH,), 0, N_ITEMS, dtype=jnp.int32)
    norm = 1
    return {"pop_per_item": pop_per_item, "cur_user": cur_user, "prev_item": prev_item, "target_item": target_item, "norm": norm}

def reference(pop_per_item, cur_user, prev_item, target_item, norm):
    # PopRec.predict: tf.gather(pop_per_item, target_item)
    # cur_user, prev_item, norm are unused by this model but kept for signature fidelity
    pop_val = jnp.take(pop_per_item, target_item, axis=0)
    return pop_val

if __name__ == "__main__":
    import jax
    _d = setup_inputs()
    print(jax.jit(kernel)(*tuple(_d.values())))

</pallas_src>

<mosaic_0001>
#map = affine_map<(d0, d1) -> (0)>
module attributes {stable_mosaic.version = 14 : i64} {
  func.func @_gather_body(%arg0: i32, %arg1: i32, %arg2: memref<1000000xf32, #tpu.memory_space<hbm>>, %arg3: memref<16384xi32, #tpu.memory_space<hbm>>, %arg4: memref<16384xf32, #tpu.memory_space<hbm>>, %arg5: memref<512xi32, #tpu.memory_space<vmem>>, %arg6: memref<512xf32, #tpu.memory_space<vmem>>, %arg7: memref<8x!tpu.dma_semaphore, #tpu.memory_space<semaphore_mem>>, %arg8: memref<8x!tpu.dma_semaphore, #tpu.memory_space<semaphore_mem>>, %arg9: memref<8x!tpu.dma_semaphore, #tpu.memory_space<semaphore_mem>>) attributes {dimension_semantics = [#tpu.dimension_semantics<core_parallel>, #tpu.dimension_semantics<subcore_parallel>], iteration_bounds = array<i64: 2, 16>, scalar_prefetch = 0 : i64, scratch_operands = 5 : i64, tpu.core_type = #tpu.core_type<sc_vector_subcore>, window_params = [{transform_indices = #map}, {transform_indices = #map}, {transform_indices = #map}]} {
    %mul3A = arith.constant 2 : i32
    %mul3A_0 = arith.muli %arg1, %mul3A : i32
    %add3A = arith.addi %mul3A_0, %arg0 : i32
    %mul3A_1 = arith.constant 512 : i32
    %mul3A_2 = arith.muli %add3A, %mul3A_1 : i32
    %add3A_3 = arith.constant 0 : i32
    %add3A_4 = arith.addi %mul3A_2, %add3A_3 : i32
    %dma_start3A = arith.constant 0 : i32
    %dma_start3A_5 = arith.constant 0 : i32
    %dma_start3A_6 = tpu.memref_slice %arg5[%dma_start3A_5] : memref<512xi32, #tpu.memory_space<vmem>> -> memref<64xi32, #tpu.memory_space<vmem>>
    %dma_start3A_7 = tpu.memref_slice %arg3[%add3A_4] : memref<16384xi32, #tpu.memory_space<hbm>> -> memref<64xi32, #tpu.memory_space<hbm>>
    %dma_start3A_8 = tpu.memref_slice %arg7[%dma_start3A] : memref<8x!tpu.dma_semaphore, #tpu.memory_space<semaphore_mem>> -> memref<1x!tpu.dma_semaphore, #tpu.memory_space<semaphore_mem>>
    %dma_start3A_9 = tpu.memref_squeeze %dma_start3A_8 : memref<1x!tpu.dma_semaphore, #tpu.memory_space<semaphore_mem>> -> memref<!tpu.dma_semaphore, #tpu.memory_space<semaphore_mem>>
    %dma_start3A_10 = arith.constant 0 : i32
    %dma_start3A_11 = tpu.memref_slice %arg5[%dma_start3A_10] : memref<512xi32, #tpu.memory_space<vmem>> -> memref<64xi32, #tpu.memory_space<vmem>>
    %dma_start3A_12 = tpu.memref_slice %arg3[%add3A_4] : memref<16384xi32, #tpu.memory_space<hbm>> -> memref<64xi32, #tpu.memory_space<hbm>>
    tpu.enqueue_dma source(%dma_start3A_12 : memref<64xi32, #tpu.memory_space<hbm>>) target(%dma_start3A_11 : memref<64xi32, #tpu.memory_space<vmem>>) target_semaphore(%dma_start3A_9 : memref<!tpu.dma_semaphore, #tpu.memory_space<semaphore_mem>>)
    %add3A_13 = arith.constant 64 : i32
    %add3A_14 = arith.addi %mul3A_2, %add3A_13 : i32
    %dma_start3A_15 = arith.constant 1 : i32
    %dma_start3A_16 = arith.constant 64 : i32
    %dma_start3A_17 = tpu.memref_slice %arg5[%dma_start3A_16] : memref<512xi32, #tpu.memory_space<vmem>> -> memref<64xi32, #tpu.memory_space<vmem>>
    %dma_start3A_18 = tpu.memref_slice %arg3[%add3A_14] : memref<16384xi32, #tpu.memory_space<hbm>> -> memref<64xi32, #tpu.memory_space<hbm>>
    %dma_start3A_19 = tpu.memref_slice %arg7[%dma_start3A_15] : memref<8x!tpu.dma_semaphore, #tpu.memory_space<semaphore_mem>> -> memref<1x!tpu.dma_semaphore, #tpu.memory_space<semaphore_mem>>
    %dma_start3A_20 = tpu.memref_squeeze %dma_start3A_19 : memref<1x!tpu.dma_semaphore, #tpu.memory_space<semaphore_mem>> -> memref<!tpu.dma_semaphore, #tpu.memory_space<semaphore_mem>>
    %dma_start3A_21 = arith.constant 64 : i32
    %dma_start3A_22 = tpu.memref_slice %arg5[%dma_start3A_21] : memref<512xi32, #tpu.memory_space<vmem>> -> memref<64xi32, #tpu.memory_space<vmem>>
    %dma_start3A_23 = tpu.memref_slice %arg3[%add3A_14] : memref<16384xi32, #tpu.memory_space<hbm>> -> memref<64xi32, #tpu.memory_space<hbm>>
    tpu.enqueue_dma source(%dma_start3A_23 : memref<64xi32, #tpu.memory_space<hbm>>) target(%dma_start3A_22 : memref<64xi32, #tpu.memory_space<vmem>>) target_semaphore(%dma_start3A_20 : memref<!tpu.dma_semaphore, #tpu.memory_space<semaphore_mem>>)
    %add3A_24 = arith.constant 128 : i32
    %add3A_25 = arith.addi %mul3A_2, %add3A_24 : i32
    %dma_start3A_26 = arith.constant 2 : i32
    %dma_start3A_27 = arith.constant 128 : i32
    %dma_start3A_28 = tpu.memref_slice %arg5[%dma_start3A_27] : memref<512xi32, #tpu.memory_space<vmem>> -> memref<64xi32, #tpu.memory_space<vmem>>
    %dma_start3A_29 = tpu.memref_slice %arg3[%add3A_25] : memref<16384xi32, #tpu.memory_space<hbm>> -> memref<64xi32, #tpu.memory_space<hbm>>
    %dma_start3A_30 = tpu.memref_slice %arg7[%dma_start3A_26] : memref<8x!tpu.dma_semaphore, #tpu.memory_space<semaphore_mem>> -> memref<1x!tpu.dma_semaphore, #tpu.memory_space<semaphore_mem>>
    %dma_start3A_31 = tpu.memref_squeeze %dma_start3A_30 : memref<1x!tpu.dma_semaphore, #tpu.memory_space<semaphore_mem>> -> memref<!tpu.dma_semaphore, #tpu.memory_space<semaphore_mem>>
    %dma_start3A_32 = arith.constant 128 : i32
    %dma_start3A_33 = tpu.memref_slice %arg5[%dma_start3A_32] : memref<512xi32, #tpu.memory_space<vmem>> -> memref<64xi32, #tpu.memory_space<vmem>>
    %dma_start3A_34 = tpu.memref_slice %arg3[%add3A_25] : memref<16384xi32, #tpu.memory_space<hbm>> -> memref<64xi32, #tpu.memory_space<hbm>>
    tpu.enqueue_dma source(%dma_start3A_34 : memref<64xi32, #tpu.memory_space<hbm>>) target(%dma_start3A_33 : memref<64xi32, #tpu.memory_space<vmem>>) target_semaphore(%dma_start3A_31 : memref<!tpu.dma_semaphore, #tpu.memory_space<semaphore_mem>>)
    %add3A_35 = arith.constant 192 : i32
    %add3A_36 = arith.addi %mul3A_2, %add3A_35 : i32
    %dma_start3A_37 = arith.constant 3 : i32
    %dma_start3A_38 = arith.constant 192 : i32
    %dma_start3A_39 = tpu.memref_slice %arg5[%dma_start3A_38] : memref<512xi32, #tpu.memory_space<vmem>> -> memref<64xi32, #tpu.memory_space<vmem>>
    %dma_start3A_40 = tpu.memref_slice %arg3[%add3A_36] : memref<16384xi32, #tpu.memory_space<hbm>> -> memref<64xi32, #tpu.memory_space<hbm>>
    %dma_start3A_41 = tpu.memref_slice %arg7[%dma_start3A_37] : memref<8x!tpu.dma_semaphore, #tpu.memory_space<semaphore_mem>> -> memref<1x!tpu.dma_semaphore, #tpu.memory_space<semaphore_mem>>
    %dma_start3A_42 = tpu.memref_squeeze %dma_start3A_41 : memref<1x!tpu.dma_semaphore, #tpu.memory_space<semaphore_mem>> -> memref<!tpu.dma_semaphore, #tpu.memory_space<semaphore_mem>>
    %dma_start3A_43 = arith.constant 192 : i32
    %dma_start3A_44 = tpu.memref_slice %arg5[%dma_start3A_43] : memref<512xi32, #tpu.memory_space<vmem>> -> memref<64xi32, #tpu.memory_space<vmem>>
    %dma_start3A_45 = tpu.memref_slice %arg3[%add3A_36] : memref<16384xi32, #tpu.memory_space<hbm>> -> memref<64xi32, #tpu.memory_space<hbm>>
    tpu.enqueue_dma source(%dma_start3A_45 : memref<64xi32, #tpu.memory_space<hbm>>) target(%dma_start3A_44 : memref<64xi32, #tpu.memory_space<vmem>>) target_semaphore(%dma_start3A_42 : memref<!tpu.dma_semaphore, #tpu.memory_space<semaphore_mem>>)
    %add3A_46 = arith.constant 256 : i32
    %add3A_47 = arith.addi %mul3A_2, %add3A_46 : i32
    %dma_start3A_48 = arith.constant 4 : i32
    %dma_start3A_49 = arith.constant 256 : i32
    %dma_start3A_50 = tpu.memref_slice %arg5[%dma_start3A_49] : memref<512xi32, #tpu.memory_space<vmem>> -> memref<64xi32, #tpu.memory_space<vmem>>
    %dma_start3A_51 = tpu.memref_slice %arg3[%add3A_47] : memref<16384xi32, #tpu.memory_space<hbm>> -> memref<64xi32, #tpu.memory_space<hbm>>
    %dma_start3A_52 = tpu.memref_slice %arg7[%dma_start3A_48] : memref<8x!tpu.dma_semaphore, #tpu.memory_space<semaphore_mem>> -> memref<1x!tpu.dma_semaphore, #tpu.memory_space<semaphore_mem>>
    %dma_start3A_53 = tpu.memref_squeeze %dma_start3A_52 : memref<1x!tpu.dma_semaphore, #tpu.memory_space<semaphore_mem>> -> memref<!tpu.dma_semaphore, #tpu.memory_space<semaphore_mem>>
    %dma_start3A_54 = arith.constant 256 : i32
    %dma_start3A_55 = tpu.memref_slice %arg5[%dma_start3A_54] : memref<512xi32, #tpu.memory_space<vmem>> -> memref<64xi32, #tpu.memory_space<vmem>>
    %dma_start3A_56 = tpu.memref_slice %arg3[%add3A_47] : memref<16384xi32, #tpu.memory_space<hbm>> -> memref<64xi32, #tpu.memory_space<hbm>>
    tpu.enqueue_dma source(%dma_start3A_56 : memref<64xi32, #tpu.memory_space<hbm>>) target(%dma_start3A_55 : memref<64xi32, #tpu.memory_space<vmem>>) target_semaphore(%dma_start3A_53 : memref<!tpu.dma_semaphore, #tpu.memory_space<semaphore_mem>>)
    %add3A_57 = arith.constant 320 : i32
    %add3A_58 = arith.addi %mul3A_2, %add3A_57 : i32
    %dma_start3A_59 = arith.constant 5 : i32
    %dma_start3A_60 = arith.constant 320 : i32
    %dma_start3A_61 = tpu.memref_slice %arg5[%dma_start3A_60] : memref<512xi32, #tpu.memory_space<vmem>> -> memref<64xi32, #tpu.memory_space<vmem>>
    %dma_start3A_62 = tpu.memref_slice %arg3[%add3A_58] : memref<16384xi32, #tpu.memory_space<hbm>> -> memref<64xi32, #tpu.memory_space<hbm>>
    %dma_start3A_63 = tpu.memref_slice %arg7[%dma_start3A_59] : memref<8x!tpu.dma_semaphore, #tpu.memory_space<semaphore_mem>> -> memref<1x!tpu.dma_semaphore, #tpu.memory_space<semaphore_mem>>
    %dma_start3A_64 = tpu.memref_squeeze %dma_start3A_63 : memref<1x!tpu.dma_semaphore, #tpu.memory_space<semaphore_mem>> -> memref<!tpu.dma_semaphore, #tpu.memory_space<semaphore_mem>>
    %dma_start3A_65 = arith.constant 320 : i32
    %dma_start3A_66 = tpu.memref_slice %arg5[%dma_start3A_65] : memref<512xi32, #tpu.memory_space<vmem>> -> memref<64xi32, #tpu.memory_space<vmem>>
    %dma_start3A_67 = tpu.memref_slice %arg3[%add3A_58] : memref<16384xi32, #tpu.memory_space<hbm>> -> memref<64xi32, #tpu.memory_space<hbm>>
    tpu.enqueue_dma source(%dma_start3A_67 : memref<64xi32, #tpu.memory_space<hbm>>) target(%dma_start3A_66 : memref<64xi32, #tpu.memory_space<vmem>>) target_semaphore(%dma_start3A_64 : memref<!tpu.dma_semaphore, #tpu.memory_space<semaphore_mem>>)
    %add3A_68 = arith.constant 384 : i32
    %add3A_69 = arith.addi %mul3A_2, %add3A_68 : i32
    %dma_start3A_70 = arith.constant 6 : i32
    %dma_start3A_71 = arith.constant 384 : i32
    %dma_start3A_72 = tpu.memref_slice %arg5[%dma_start3A_71] : memref<512xi32, #tpu.memory_space<vmem>> -> memref<64xi32, #tpu.memory_space<vmem>>
    %dma_start3A_73 = tpu.memref_slice %arg3[%add3A_69] : memref<16384xi32, #tpu.memory_space<hbm>> -> memref<64xi32, #tpu.memory_space<hbm>>
    %dma_start3A_74 = tpu.memref_slice %arg7[%dma_start3A_70] : memref<8x!tpu.dma_semaphore, #tpu.memory_space<semaphore_mem>> -> memref<1x!tpu.dma_semaphore, #tpu.memory_space<semaphore_mem>>
    %dma_start3A_75 = tpu.memref_squeeze %dma_start3A_74 : memref<1x!tpu.dma_semaphore, #tpu.memory_space<semaphore_mem>> -> memref<!tpu.dma_semaphore, #tpu.memory_space<semaphore_mem>>
    %dma_start3A_76 = arith.constant 384 : i32
    %dma_start3A_77 = tpu.memref_slice %arg5[%dma_start3A_76] : memref<512xi32, #tpu.memory_space<vmem>> -> memref<64xi32, #tpu.memory_space<vmem>>
    %dma_start3A_78 = tpu.memref_slice %arg3[%add3A_69] : memref<16384xi32, #tpu.memory_space<hbm>> -> memref<64xi32, #tpu.memory_space<hbm>>
    tpu.enqueue_dma source(%dma_start3A_78 : memref<64xi32, #tpu.memory_space<hbm>>) target(%dma_start3A_77 : memref<64xi32, #tpu.memory_space<vmem>>) target_semaphore(%dma_start3A_75 : memref<!tpu.dma_semaphore, #tpu.memory_space<semaphore_mem>>)
    %add3A_79 = arith.constant 448 : i32
    %add3A_80 = arith.addi %mul3A_2, %add3A_79 : i32
    %dma_start3A_81 = arith.constant 7 : i32
    %dma_start3A_82 = arith.constant 448 : i32
    %dma_start3A_83 = tpu.memref_slice %arg5[%dma_start3A_82] : memref<512xi32, #tpu.memory_space<vmem>> -> memref<64xi32, #tpu.memory_space<vmem>>
    %dma_start3A_84 = tpu.memref_slice %arg3[%add3A_80] : memref<16384xi32, #tpu.memory_space<hbm>> -> memref<64xi32, #tpu.memory_space<hbm>>
    %dma_start3A_85 = tpu.memref_slice %arg7[%dma_start3A_81] : memref<8x!tpu.dma_semaphore, #tpu.memory_space<semaphore_mem>> -> memref<1x!tpu.dma_semaphore, #tpu.memory_space<semaphore_mem>>
    %dma_start3A_86 = tpu.memref_squeeze %dma_start3A_85 : memref<1x!tpu.dma_semaphore, #tpu.memory_space<semaphore_mem>> -> memref<!tpu.dma_semaphore, #tpu.memory_space<semaphore_mem>>
    %dma_start3A_87 = arith.constant 448 : i32
    %dma_start3A_88 = tpu.memref_slice %arg5[%dma_start3A_87] : memref<512xi32, #tpu.memory_space<vmem>> -> memref<64xi32, #tpu.memory_space<vmem>>
    %dma_start3A_89 = tpu.memref_slice %arg3[%add3A_80] : memref<16384xi32, #tpu.memory_space<hbm>> -> memref<64xi32, #tpu.memory_space<hbm>>
    tpu.enqueue_dma source(%dma_start3A_89 : memref<64xi32, #tpu.memory_space<hbm>>) target(%dma_start3A_88 : memref<64xi32, #tpu.memory_space<vmem>>) target_semaphore(%dma_start3A_86 : memref<!tpu.dma_semaphore, #tpu.memory_space<semaphore_mem>>)
    %dma_wait3A = arith.constant 0 : i32
    %dma_wait3A_90 = arith.constant 0 : i32
    %dma_wait3A_91 = tpu.memref_slice %arg5[%dma_wait3A_90] : memref<512xi32, #tpu.memory_space<vmem>> -> memref<64xi32, #tpu.memory_space<vmem>>
    %dma_wait3A_92 = tpu.memref_slice %arg3[%add3A_4] : memref<16384xi32, #tpu.memory_space<hbm>> -> memref<64xi32, #tpu.memory_space<hbm>>
    %dma_wait3A_93 = tpu.memref_slice %arg7[%dma_wait3A] : memref<8x!tpu.dma_semaphore, #tpu.memory_space<semaphore_mem>> -> memref<1x!tpu.dma_semaphore, #tpu.memory_space<semaphore_mem>>
    %dma_wait3A_94 = tpu.memref_squeeze %dma_wait3A_93 : memref<1x!tpu.dma_semaphore, #tpu.memory_space<semaphore_mem>> -> memref<!tpu.dma_semaphore, #tpu.memory_space<semaphore_mem>>
    %dma_wait3A_95 = arith.constant 0 : i32
    %dma_wait3A_96 = tpu.memref_slice %arg5[%dma_wait3A_95] : memref<512xi32, #tpu.memory_space<vmem>> -> memref<64xi32, #tpu.memory_space<vmem>>
    %dma_wait3A_97 = tpu.memref_slice %arg3[%add3A_4] : memref<16384xi32, #tpu.memory_space<hbm>> -> memref<64xi32, #tpu.memory_space<hbm>>
    tpu.wait_dma2 semaphore(%dma_wait3A_94 : memref<!tpu.dma_semaphore, #tpu.memory_space<semaphore_mem>>) src(%dma_wait3A_97 : memref<64xi32, #tpu.memory_space<hbm>>) dst(%dma_wait3A_96 : memref<64xi32, #tpu.memory_space<vmem>>)
    %dma_start3A_98 = arith.constant 0 : i32
    %dma_start3A_99 = arith.constant 0 : i32
    %dma_start3A_100 = tpu.memref_slice %arg6[%dma_start3A_99] : memref<512xf32, #tpu.memory_space<vmem>> -> memref<64xf32, #tpu.memory_space<vmem>>
    %dma_start3A_101 = arith.constant 0 : i32
    %dma_start3A_102 = tpu.memref_slice %arg5[%dma_start3A_101] : memref<512xi32, #tpu.memory_space<vmem>> -> memref<64xi32, #tpu.memory_space<vmem>>
    %dma_start3A_103 = arith.constant 0 : i32
    %dma_start3A_104 = tpu.memref_slice %arg2[%dma_start3A_103] : memref<1000000xf32, #tpu.memory_space<hbm>> -> memref<1000000xf32, #tpu.memory_space<hbm>>
    %dma_start3A_105 = tpu.memref_slice %arg8[%dma_start3A_98] : memref<8x!tpu.dma_semaphore, #tpu.memory_space<semaphore_mem>> -> memref<1x!tpu.dma_semaphore, #tpu.memory_space<semaphore_mem>>
    %dma_start3A_106 = tpu.memref_squeeze %dma_start3A_105 : memref<1x!tpu.dma_semaphore, #tpu.memory_space<semaphore_mem>> -> memref<!tpu.dma_semaphore, #tpu.memory_space<semaphore_mem>>
    tpu.enqueue_indirect_dma source(%dma_start3A_104 : memref<1000000xf32, #tpu.memory_space<hbm>>) target(%dma_start3A_100 : memref<64xf32, #tpu.memory_space<vmem>>) offsets(%dma_start3A_102 : memref<64xi32, #tpu.memory_space<vmem>>) semaphore(%dma_start3A_106 : memref<!tpu.dma_semaphore, #tpu.memory_space<semaphore_mem>>)
    %dma_wait3A_107 = arith.constant 1 : i32
    %dma_wait3A_108 = arith.constant 64 : i32
    %dma_wait3A_109 = tpu.memref_slice %arg5[%dma_wait3A_108] : memref<512xi32, #tpu.memory_space<vmem>> -> memref<64xi32, #tpu.memory_space<vmem>>
    %dma_wait3A_110 = tpu.memref_slice %arg3[%add3A_14] : memref<16384xi32, #tpu.memory_space<hbm>> -> memref<64xi32, #tpu.memory_space<hbm>>
    %dma_wait3A_111 = tpu.memref_slice %arg7[%dma_wait3A_107] : memref<8x!tpu.dma_semaphore, #tpu.memory_space<semaphore_mem>> -> memref<1x!tpu.dma_semaphore, #tpu.memory_space<semaphore_mem>>
    %dma_wait3A_112 = tpu.memref_squeeze %dma_wait3A_111 : memref<1x!tpu.dma_semaphore, #tpu.memory_space<semaphore_mem>> -> memref<!tpu.dma_semaphore, #tpu.memory_space<semaphore_mem>>
    %dma_wait3A_113 = arith.constant 64 : i32
    %dma_wait3A_114 = tpu.memref_slice %arg5[%dma_wait3A_113] : memref<512xi32, #tpu.memory_space<vmem>> -> memref<64xi32, #tpu.memory_space<vmem>>
    %dma_wait3A_115 = tpu.memref_slice %arg3[%add3A_14] : memref<16384xi32, #tpu.memory_space<hbm>> -> memref<64xi32, #tpu.memory_space<hbm>>
    tpu.wait_dma2 semaphore(%dma_wait3A_112 : memref<!tpu.dma_semaphore, #tpu.memory_space<semaphore_mem>>) src(%dma_wait3A_115 : memref<64xi32, #tpu.memory_space<hbm>>) dst(%dma_wait3A_114 : memref<64xi32, #tpu.memory_space<vmem>>)
    %dma_start3A_116 = arith.constant 1 : i32
    %dma_start3A_117 = arith.constant 64 : i32
    %dma_start3A_118 = tpu.memref_slice %arg6[%dma_start3A_117] : memref<512xf32, #tpu.memory_space<vmem>> -> memref<64xf32, #tpu.memory_space<vmem>>
    %dma_start3A_119 = arith.constant 64 : i32
    %dma_start3A_120 = tpu.memref_slice %arg5[%dma_start3A_119] : memref<512xi32, #tpu.memory_space<vmem>> -> memref<64xi32, #tpu.memory_space<vmem>>
    %dma_start3A_121 = arith.constant 0 : i32
    %dma_start3A_122 = tpu.memref_slice %arg2[%dma_start3A_121] : memref<1000000xf32, #tpu.memory_space<hbm>> -> memref<1000000xf32, #tpu.memory_space<hbm>>
    %dma_start3A_123 = tpu.memref_slice %arg8[%dma_start3A_116] : memref<8x!tpu.dma_semaphore, #tpu.memory_space<semaphore_mem>> -> memref<1x!tpu.dma_semaphore, #tpu.memory_space<semaphore_mem>>
    %dma_start3A_124 = tpu.memref_squeeze %dma_start3A_123 : memref<1x!tpu.dma_semaphore, #tpu.memory_space<semaphore_mem>> -> memref<!tpu.dma_semaphore, #tpu.memory_space<semaphore_mem>>
    tpu.enqueue_indirect_dma source(%dma_start3A_122 : memref<1000000xf32, #tpu.memory_space<hbm>>) target(%dma_start3A_118 : memref<64xf32, #tpu.memory_space<vmem>>) offsets(%dma_start3A_120 : memref<64xi32, #tpu.memory_space<vmem>>) semaphore(%dma_start3A_124 : memref<!tpu.dma_semaphore, #tpu.memory_space<semaphore_mem>>)
    %dma_wait3A_125 = arith.constant 2 : i32
    %dma_wait3A_126 = arith.constant 128 : i32
    %dma_wait3A_127 = tpu.memref_slice %arg5[%dma_wait3A_126] : memref<512xi32, #tpu.memory_space<vmem>> -> memref<64xi32, #tpu.memory_space<vmem>>
    %dma_wait3A_128 = tpu.memref_slice %arg3[%add3A_25] : memref<16384xi32, #tpu.memory_space<hbm>> -> memref<64xi32, #tpu.memory_space<hbm>>
    %dma_wait3A_129 = tpu.memref_slice %arg7[%dma_wait3A_125] : memref<8x!tpu.dma_semaphore, #tpu.memory_space<semaphore_mem>> -> memref<1x!tpu.dma_semaphore, #tpu.memory_space<semaphore_mem>>
    %dma_wait3A_130 = tpu.memref_squeeze %dma_wait3A_129 : memref<1x!tpu.dma_semaphore, #tpu.memory_space<semaphore_mem>> -> memref<!tpu.dma_semaphore, #tpu.memory_space<semaphore_mem>>
    %dma_wait3A_131 = arith.constant 128 : i32
    %dma_wait3A_132 = tpu.memref_slice %arg5[%dma_wait3A_131] : memref<512xi32, #tpu.memory_space<vmem>> -> memref<64xi32, #tpu.memory_space<vmem>>
    %dma_wait3A_133 = tpu.memref_slice %arg3[%add3A_25] : memref<16384xi32, #tpu.memory_space<hbm>> -> memref<64xi32, #tpu.memory_space<hbm>>
    tpu.wait_dma2 semaphore(%dma_wait3A_130 : memref<!tpu.dma_semaphore, #tpu.memory_space<semaphore_mem>>) src(%dma_wait3A_133 : memref<64xi32, #tpu.memory_space<hbm>>) dst(%dma_wait3A_132 : memref<64xi32, #tpu.memory_space<vmem>>)
    %dma_start3A_134 = arith.constant 2 : i32
    %dma_start3A_135 = arith.constant 128 : i32
    %dma_start3A_136 = tpu.memref_slice %arg6[%dma_start3A_135] : memref<512xf32, #tpu.memory_space<vmem>> -> memref<64xf32, #tpu.memory_space<vmem>>
    %dma_start3A_137 = arith.constant 128 : i32
    %dma_start3A_138 = tpu.memref_slice %arg5[%dma_start3A_137] : memref<512xi32, #tpu.memory_space<vmem>> -> memref<64xi32, #tpu.memory_space<vmem>>
    %dma_start3A_139 = arith.constant 0 : i32
    %dma_start3A_140 = tpu.memref_slice %arg2[%dma_start3A_139] : memref<1000000xf32, #tpu.memory_space<hbm>> -> memref<1000000xf32, #tpu.memory_space<hbm>>
    %dma_start3A_141 = tpu.memref_slice %arg8[%dma_start3A_134] : memref<8x!tpu.dma_semaphore, #tpu.memory_space<semaphore_mem>> -> memref<1x!tpu.dma_semaphore, #tpu.memory_space<semaphore_mem>>
    %dma_start3A_142 = tpu.memref_squeeze %dma_start3A_141 : memref<1x!tpu.dma_semaphore, #tpu.memory_space<semaphore_mem>> -> memref<!tpu.dma_semaphore, #tpu.memory_space<semaphore_mem>>
    tpu.enqueue_indirect_dma source(%dma_start3A_140 : memref<1000000xf32, #tpu.memory_space<hbm>>) target(%dma_start3A_136 : memref<64xf32, #tpu.memory_space<vmem>>) offsets(%dma_start3A_138 : memref<64xi32, #tpu.memory_space<vmem>>) semaphore(%dma_start3A_142 : memref<!tpu.dma_semaphore, #tpu.memory_space<semaphore_mem>>)
    %dma_wait3A_143 = arith.constant 3 : i32
    %dma_wait3A_144 = arith.constant 192 : i32
    %dma_wait3A_145 = tpu.memref_slice %arg5[%dma_wait3A_144] : memref<512xi32, #tpu.memory_space<vmem>> -> memref<64xi32, #tpu.memory_space<vmem>>
    %dma_wait3A_146 = tpu.memref_slice %arg3[%add3A_36] : memref<16384xi32, #tpu.memory_space<hbm>> -> memref<64xi32, #tpu.memory_space<hbm>>
    %dma_wait3A_147 = tpu.memref_slice %arg7[%dma_wait3A_143] : memref<8x!tpu.dma_semaphore, #tpu.memory_space<semaphore_mem>> -> memref<1x!tpu.dma_semaphore, #tpu.memory_space<semaphore_mem>>
    %dma_wait3A_148 = tpu.memref_squeeze %dma_wait3A_147 : memref<1x!tpu.dma_semaphore, #tpu.memory_space<semaphore_mem>> -> memref<!tpu.dma_semaphore, #tpu.memory_space<semaphore_mem>>
    %dma_wait3A_149 = arith.constant 192 : i32
    %dma_wait3A_150 = tpu.memref_slice %arg5[%dma_wait3A_149] : memref<512xi32, #tpu.memory_space<vmem>> -> memref<64xi32, #tpu.memory_space<vmem>>
    %dma_wait3A_151 = tpu.memref_slice %arg3[%add3A_36] : memref<16384xi32, #tpu.memory_space<hbm>> -> memref<64xi32, #tpu.memory_space<hbm>>
    tpu.wait_dma2 semaphore(%dma_wait3A_148 : memref<!tpu.dma_semaphore, #tpu.memory_space<semaphore_mem>>) src(%dma_wait3A_151 : memref<64xi32, #tpu.memory_space<hbm>>) dst(%dma_wait3A_150 : memref<64xi32, #tpu.memory_space<vmem>>)
    %dma_start3A_152 = arith.constant 3 : i32
    %dma_start3A_153 = arith.constant 192 : i32
    %dma_start3A_154 = tpu.memref_slice %arg6[%dma_start3A_153] : memref<512xf32, #tpu.memory_space<vmem>> -> memref<64xf32, #tpu.memory_space<vmem>>
    %dma_start3A_155 = arith.constant 192 : i32
    %dma_start3A_156 = tpu.memref_slice %arg5[%dma_start3A_155] : memref<512xi32, #tpu.memory_space<vmem>> -> memref<64xi32, #tpu.memory_space<vmem>>
    %dma_start3A_157 = arith.constant 0 : i32
    %dma_start3A_158 = tpu.memref_slice %arg2[%dma_start3A_157] : memref<1000000xf32, #tpu.memory_space<hbm>> -> memref<1000000xf32, #tpu.memory_space<hbm>>
    %dma_start3A_159 = tpu.memref_slice %arg8[%dma_start3A_152] : memref<8x!tpu.dma_semaphore, #tpu.memory_space<semaphore_mem>> -> memref<1x!tpu.dma_semaphore, #tpu.memory_space<semaphore_mem>>
    %dma_start3A_160 = tpu.memref_squeeze %dma_start3A_159 : memref<1x!tpu.dma_semaphore, #tpu.memory_space<semaphore_mem>> -> memref<!tpu.dma_semaphore, #tpu.memory_space<semaphore_mem>>
    tpu.enqueue_indirect_dma source(%dma_start3A_158 : memref<1000000xf32, #tpu.memory_space<hbm>>) target(%dma_start3A_154 : memref<64xf32, #tpu.memory_space<vmem>>) offsets(%dma_start3A_156 : memref<64xi32, #tpu.memory_space<vmem>>) semaphore(%dma_start3A_160 : memref<!tpu.dma_semaphore, #tpu.memory_space<semaphore_mem>>)
    %dma_wait3A_161 = arith.constant 4 : i32
    %dma_wait3A_162 = arith.constant 256 : i32
    %dma_wait3A_163 = tpu.memref_slice %arg5[%dma_wait3A_162] : memref<512xi32, #tpu.memory_space<vmem>> -> memref<64xi32, #tpu.memory_space<vmem>>
    %dma_wait3A_164 = tpu.memref_slice %arg3[%add3A_47] : memref<16384xi32, #tpu.memory_space<hbm>> -> memref<64xi32, #tpu.memory_space<hbm>>
    %dma_wait3A_165 = tpu.memref_slice %arg7[%dma_wait3A_161] : memref<8x!tpu.dma_semaphore, #tpu.memory_space<semaphore_mem>> -> memref<1x!tpu.dma_semaphore, #tpu.memory_space<semaphore_mem>>
    %dma_wait3A_166 = tpu.memref_squeeze %dma_wait3A_165 : memref<1x!tpu.dma_semaphore, #tpu.memory_space<semaphore_mem>> -> memref<!tpu.dma_semaphore, #tpu.memory_space<semaphore_mem>>
    %dma_wait3A_167 = arith.constant 256 : i32
    %dma_wait3A_168 = tpu.memref_slice %arg5[%dma_wait3A_167] : memref<512xi32, #tpu.memory_space<vmem>> -> memref<64xi32, #tpu.memory_space<vmem>>
    %dma_wait3A_169 = tpu.memref_slice %arg3[%add3A_47] : memref<16384xi32, #tpu.memory_space<hbm>> -> memref<64xi32, #tpu.memory_space<hbm>>
    tpu.wait_dma2 semaphore(%dma_wait3A_166 : memref<!tpu.dma_semaphore, #tpu.memory_space<semaphore_mem>>) src(%dma_wait3A_169 : memref<64xi32, #tpu.memory_space<hbm>>) dst(%dma_wait3A_168 : memref<64xi32, #tpu.memory_space<vmem>>)
    %dma_start3A_170 = arith.constant 4 : i32
    %dma_start3A_171 = arith.constant 256 : i32
    %dma_start3A_172 = tpu.memref_slice %arg6[%dma_start3A_171] : memref<512xf32, #tpu.memory_space<vmem>> -> memref<64xf32, #tpu.memory_space<vmem>>
    %dma_start3A_173 = arith.constant 256 : i32
    %dma_start3A_174 = tpu.memref_slice %arg5[%dma_start3A_173] : memref<512xi32, #tpu.memory_space<vmem>> -> memref<64xi32, #tpu.memory_space<vmem>>
    %dma_start3A_175 = arith.constant 0 : i32
    %dma_start3A_176 = tpu.memref_slice %arg2[%dma_start3A_175] : memref<1000000xf32, #tpu.memory_space<hbm>> -> memref<1000000xf32, #tpu.memory_space<hbm>>
    %dma_start3A_177 = tpu.memref_slice %arg8[%dma_start3A_170] : memref<8x!tpu.dma_semaphore, #tpu.memory_space<semaphore_mem>> -> memref<1x!tpu.dma_semaphore, #tpu.memory_space<semaphore_mem>>
    %dma_start3A_178 = tpu.memref_squeeze %dma_start3A_177 : memref<1x!tpu.dma_semaphore, #tpu.memory_space<semaphore_mem>> -> memref<!tpu.dma_semaphore, #tpu.memory_space<semaphore_mem>>
    tpu.enqueue_indirect_dma source(%dma_start3A_176 : memref<1000000xf32, #tpu.memory_space<hbm>>) target(%dma_start3A_172 : memref<64xf32, #tpu.memory_space<vmem>>) offsets(%dma_start3A_174 : memref<64xi32, #tpu.memory_space<vmem>>) semaphore(%dma_start3A_178 : memref<!tpu.dma_semaphore, #tpu.memory_space<semaphore_mem>>)
    %dma_wait3A_179 = arith.constant 5 : i32
    %dma_wait3A_180 = arith.constant 320 : i32
    %dma_wait3A_181 = tpu.memref_slice %arg5[%dma_wait3A_180] : memref<512xi32, #tpu.memory_space<vmem>> -> memref<64xi32, #tpu.memory_space<vmem>>
    %dma_wait3A_182 = tpu.memref_slice %arg3[%add3A_58] : memref<16384xi32, #tpu.memory_space<hbm>> -> memref<64xi32, #tpu.memory_space<hbm>>
    %dma_wait3A_183 = tpu.memref_slice %arg7[%dma_wait3A_179] : memref<8x!tpu.dma_semaphore, #tpu.memory_space<semaphore_mem>> -> memref<1x!tpu.dma_semaphore, #tpu.memory_space<semaphore_mem>>
    %dma_wait3A_184 = tpu.memref_squeeze %dma_wait3A_183 : memref<1x!tpu.dma_semaphore, #tpu.memory_space<semaphore_mem>> -> memref<!tpu.dma_semaphore, #tpu.memory_space<semaphore_mem>>
    %dma_wait3A_185 = arith.constant 320 : i32
    %dma_wait3A_186 = tpu.memref_slice %arg5[%dma_wait3A_185] : memref<512xi32, #tpu.memory_space<vmem>> -> memref<64xi32, #tpu.memory_space<vmem>>
    %dma_wait3A_187 = tpu.memref_slice %arg3[%add3A_58] : memref<16384xi32, #tpu.memory_space<hbm>> -> memref<64xi32, #tpu.memory_space<hbm>>
    tpu.wait_dma2 semaphore(%dma_wait3A_184 : memref<!tpu.dma_semaphore, #tpu.memory_space<semaphore_mem>>) src(%dma_wait3A_187 : memref<64xi32, #tpu.memory_space<hbm>>) dst(%dma_wait3A_186 : memref<64xi32, #tpu.memory_space<vmem>>)
    %dma_start3A_188 = arith.constant 5 : i32
    %dma_start3A_189 = arith.constant 320 : i32
    %dma_start3A_190 = tpu.memref_slice %arg6[%dma_start3A_189] : memref<512xf32, #tpu.memory_space<vmem>> -> memref<64xf32, #tpu.memory_space<vmem>>
    %dma_start3A_191 = arith.constant 320 : i32
    %dma_start3A_192 = tpu.memref_slice %arg5[%dma_start3A_191] : memref<512xi32, #tpu.memory_space<vmem>> -> memref<64xi32, #tpu.memory_space<vmem>>
    %dma_start3A_193 = arith.constant 0 : i32
    %dma_start3A_194 = tpu.memref_slice %arg2[%dma_start3A_193] : memref<1000000xf32, #tpu.memory_space<hbm>> -> memref<1000000xf32, #tpu.memory_space<hbm>>
    %dma_start3A_195 = tpu.memref_slice %arg8[%dma_start3A_188] : memref<8x!tpu.dma_semaphore, #tpu.memory_space<semaphore_mem>> -> memref<1x!tpu.dma_semaphore, #tpu.memory_space<semaphore_mem>>
    %dma_start3A_196 = tpu.memref_squeeze %dma_start3A_195 : memref<1x!tpu.dma_semaphore, #tpu.memory_space<semaphore_mem>> -> memref<!tpu.dma_semaphore, #tpu.memory_space<semaphore_mem>>
    tpu.enqueue_indirect_dma source(%dma_start3A_194 : memref<1000000xf32, #tpu.memory_space<hbm>>) target(%dma_start3A_190 : memref<64xf32, #tpu.memory_space<vmem>>) offsets(%dma_start3A_192 : memref<64xi32, #tpu.memory_space<vmem>>) semaphore(%dma_start3A_196 : memref<!tpu.dma_semaphore, #tpu.memory_space<semaphore_mem>>)
    %dma_wait3A_197 = arith.constant 6 : i32
    %dma_wait3A_198 = arith.constant 384 : i32
    %dma_wait3A_199 = tpu.memref_slice %arg5[%dma_wait3A_198] : memref<512xi32, #tpu.memory_space<vmem>> -> memref<64xi32, #tpu.memory_space<vmem>>
    %dma_wait3A_200 = tpu.memref_slice %arg3[%add3A_69] : memref<16384xi32, #tpu.memory_space<hbm>> -> memref<64xi32, #tpu.memory_space<hbm>>
    %dma_wait3A_201 = tpu.memref_slice %arg7[%dma_wait3A_197] : memref<8x!tpu.dma_semaphore, #tpu.memory_space<semaphore_mem>> -> memref<1x!tpu.dma_semaphore, #tpu.memory_space<semaphore_mem>>
    %dma_wait3A_202 = tpu.memref_squeeze %dma_wait3A_201 : memref<1x!tpu.dma_semaphore, #tpu.memory_space<semaphore_mem>> -> memref<!tpu.dma_semaphore, #tpu.memory_space<semaphore_mem>>
    %dma_wait3A_203 = arith.constant 384 : i32
    %dma_wait3A_204 = tpu.memref_slice %arg5[%dma_wait3A_203] : memref<512xi32, #tpu.memory_space<vmem>> -> memref<64xi32, #tpu.memory_space<vmem>>
    %dma_wait3A_205 = tpu.memref_slice %arg3[%add3A_69] : memref<16384xi32, #tpu.memory_space<hbm>> -> memref<64xi32, #tpu.memory_space<hbm>>
    tpu.wait_dma2 semaphore(%dma_wait3A_202 : memref<!tpu.dma_semaphore, #tpu.memory_space<semaphore_mem>>) src(%dma_wait3A_205 : memref<64xi32, #tpu.memory_space<hbm>>) dst(%dma_wait3A_204 : memref<64xi32, #tpu.memory_space<vmem>>)
    %dma_start3A_206 = arith.constant 6 : i32
    %dma_start3A_207 = arith.constant 384 : i32
    %dma_start3A_208 = tpu.memref_slice %arg6[%dma_start3A_207] : memref<512xf32, #tpu.memory_space<vmem>> -> memref<64xf32, #tpu.memory_space<vmem>>
    %dma_start3A_209 = arith.constant 384 : i32
    %dma_start3A_210 = tpu.memref_slice %arg5[%dma_start3A_209] : memref<512xi32, #tpu.memory_space<vmem>> -> memref<64xi32, #tpu.memory_space<vmem>>
    %dma_start3A_211 = arith.constant 0 : i32
    %dma_start3A_212 = tpu.memref_slice %arg2[%dma_start3A_211] : memref<1000000xf32, #tpu.memory_space<hbm>> -> memref<1000000xf32, #tpu.memory_space<hbm>>
    %dma_start3A_213 = tpu.memref_slice %arg8[%dma_start3A_206] : memref<8x!tpu.dma_semaphore, #tpu.memory_space<semaphore_mem>> -> memref<1x!tpu.dma_semaphore, #tpu.memory_space<semaphore_mem>>
    %dma_start3A_214 = tpu.memref_squeeze %dma_start3A_213 : memref<1x!tpu.dma_semaphore, #tpu.memory_space<semaphore_mem>> -> memref<!tpu.dma_semaphore, #tpu.memory_space<semaphore_mem>>
    tpu.enqueue_indirect_dma source(%dma_start3A_212 : memref<1000000xf32, #tpu.memory_space<hbm>>) target(%dma_start3A_208 : memref<64xf32, #tpu.memory_space<vmem>>) offsets(%dma_start3A_210 : memref<64xi32, #tpu.memory_space<vmem>>) semaphore(%dma_start3A_214 : memref<!tpu.dma_semaphore, #tpu.memory_space<semaphore_mem>>)
    %dma_wait3A_215 = arith.constant 7 : i32
    %dma_wait3A_216 = arith.constant 448 : i32
    %dma_wait3A_217 = tpu.memref_slice %arg5[%dma_wait3A_216] : memref<512xi32, #tpu.memory_space<vmem>> -> memref<64xi32, #tpu.memory_space<vmem>>
    %dma_wait3A_218 = tpu.memref_slice %arg3[%add3A_80] : memref<16384xi32, #tpu.memory_space<hbm>> -> memref<64xi32, #tpu.memory_space<hbm>>
    %dma_wait3A_219 = tpu.memref_slice %arg7[%dma_wait3A_215] : memref<8x!tpu.dma_semaphore, #tpu.memory_space<semaphore_mem>> -> memref<1x!tpu.dma_semaphore, #tpu.memory_space<semaphore_mem>>
    %dma_wait3A_220 = tpu.memref_squeeze %dma_wait3A_219 : memref<1x!tpu.dma_semaphore, #tpu.memory_space<semaphore_mem>> -> memref<!tpu.dma_semaphore, #tpu.memory_space<semaphore_mem>>
    %dma_wait3A_221 = arith.constant 448 : i32
    %dma_wait3A_222 = tpu.memref_slice %arg5[%dma_wait3A_221] : memref<512xi32, #tpu.memory_space<vmem>> -> memref<64xi32, #tpu.memory_space<vmem>>
    %dma_wait3A_223 = tpu.memref_slice %arg3[%add3A_80] : memref<16384xi32, #tpu.memory_space<hbm>> -> memref<64xi32, #tpu.memory_space<hbm>>
    tpu.wait_dma2 semaphore(%dma_wait3A_220 : memref<!tpu.dma_semaphore, #tpu.memory_space<semaphore_mem>>) src(%dma_wait3A_223 : memref<64xi32, #tpu.memory_space<hbm>>) dst(%dma_wait3A_222 : memref<64xi32, #tpu.memory_space<vmem>>)
    %dma_start3A_224 = arith.constant 7 : i32
    %dma_start3A_225 = arith.constant 448 : i32
    %dma_start3A_226 = tpu.memref_slice %arg6[%dma_start3A_225] : memref<512xf32, #tpu.memory_space<vmem>> -> memref<64xf32, #tpu.memory_space<vmem>>
    %dma_start3A_227 = arith.constant 448 : i32
    %dma_start3A_228 = tpu.memref_slice %arg5[%dma_start3A_227] : memref<512xi32, #tpu.memory_space<vmem>> -> memref<64xi32, #tpu.memory_space<vmem>>
    %dma_start3A_229 = arith.constant 0 : i32
    %dma_start3A_230 = tpu.memref_slice %arg2[%dma_start3A_229] : memref<1000000xf32, #tpu.memory_space<hbm>> -> memref<1000000xf32, #tpu.memory_space<hbm>>
    %dma_start3A_231 = tpu.memref_slice %arg8[%dma_start3A_224] : memref<8x!tpu.dma_semaphore, #tpu.memory_space<semaphore_mem>> -> memref<1x!tpu.dma_semaphore, #tpu.memory_space<semaphore_mem>>
    %dma_start3A_232 = tpu.memref_squeeze %dma_start3A_231 : memref<1x!tpu.dma_semaphore, #tpu.memory_space<semaphore_mem>> -> memref<!tpu.dma_semaphore, #tpu.memory_space<semaphore_mem>>
    tpu.enqueue_indirect_dma source(%dma_start3A_230 : memref<1000000xf32, #tpu.memory_space<hbm>>) target(%dma_start3A_226 : memref<64xf32, #tpu.memory_space<vmem>>) offsets(%dma_start3A_228 : memref<64xi32, #tpu.memory_space<vmem>>) semaphore(%dma_start3A_232 : memref<!tpu.dma_semaphore, #tpu.memory_space<semaphore_mem>>)
    %dma_wait3A_233 = arith.constant 0 : i32
    %dma_wait3A_234 = arith.constant 0 : i32
    %dma_wait3A_235 = tpu.memref_slice %arg6[%dma_wait3A_234] : memref<512xf32, #tpu.memory_space<vmem>> -> memref<64xf32, #tpu.memory_space<vmem>>
    %dma_wait3A_236 = arith.constant 0 : i32
    %dma_wait3A_237 = tpu.memref_slice %arg5[%dma_wait3A_236] : memref<512xi32, #tpu.memory_space<vmem>> -> memref<64xi32, #tpu.memory_space<vmem>>
    %dma_wait3A_238 = arith.constant 0 : i32
    %dma_wait3A_239 = tpu.memref_slice %arg2[%dma_wait3A_238] : memref<1000000xf32, #tpu.memory_space<hbm>> -> memref<1000000xf32, #tpu.memory_space<hbm>>
    %dma_wait3A_240 = tpu.memref_slice %arg8[%dma_wait3A_233] : memref<8x!tpu.dma_semaphore, #tpu.memory_space<semaphore_mem>> -> memref<1x!tpu.dma_semaphore, #tpu.memory_space<semaphore_mem>>
    %dma_wait3A_241 = tpu.memref_squeeze %dma_wait3A_240 : memref<1x!tpu.dma_semaphore, #tpu.memory_space<semaphore_mem>> -> memref<!tpu.dma_semaphore, #tpu.memory_space<semaphore_mem>>
    tpu.wait_indirect_dma semaphore(%dma_wait3A_241 : memref<!tpu.dma_semaphore, #tpu.memory_space<semaphore_mem>>) src(%dma_wait3A_239 : memref<1000000xf32, #tpu.memory_space<hbm>>) dst(%dma_wait3A_235 : memref<64xf32, #tpu.memory_space<vmem>>)
    %add3A_242 = arith.constant 0 : i32
    %add3A_243 = arith.addi %mul3A_2, %add3A_242 : i32
    %dma_start3A_244 = arith.constant 0 : i32
    %dma_start3A_245 = arith.constant 0 : i32
    %dma_start3A_246 = tpu.memref_slice %arg6[%dma_start3A_245] : memref<512xf32, #tpu.memory_space<vmem>> -> memref<64xf32, #tpu.memory_space<vmem>>
    %dma_start3A_247 = tpu.memref_slice %arg4[%add3A_243] : memref<16384xf32, #tpu.memory_space<hbm>> -> memref<64xf32, #tpu.memory_space<hbm>>
    %dma_start3A_248 = tpu.memref_slice %arg9[%dma_start3A_244] : memref<8x!tpu.dma_semaphore, #tpu.memory_space<semaphore_mem>> -> memref<1x!tpu.dma_semaphore, #tpu.memory_space<semaphore_mem>>
    %dma_start3A_249 = tpu.memref_squeeze %dma_start3A_248 : memref<1x!tpu.dma_semaphore, #tpu.memory_space<semaphore_mem>> -> memref<!tpu.dma_semaphore, #tpu.memory_space<semaphore_mem>>
    %dma_start3A_250 = tpu.memref_slice %arg4[%add3A_243] : memref<16384xf32, #tpu.memory_space<hbm>> -> memref<64xf32, #tpu.memory_space<hbm>>
    %dma_start3A_251 = arith.constant 0 : i32
    %dma_start3A_252 = tpu.memref_slice %arg6[%dma_start3A_251] : memref<512xf32, #tpu.memory_space<vmem>> -> memref<64xf32, #tpu.memory_space<vmem>>
    tpu.enqueue_dma source(%dma_start3A_252 : memref<64xf32, #tpu.memory_space<vmem>>) target(%dma_start3A_250 : memref<64xf32, #tpu.memory_space<hbm>>) target_semaphore(%dma_start3A_249 : memref<!tpu.dma_semaphore, #tpu.memory_space<semaphore_mem>>)
    %dma_wait3A_253 = arith.constant 1 : i32
    %dma_wait3A_254 = arith.constant 64 : i32
    %dma_wait3A_255 = tpu.memref_slice %arg6[%dma_wait3A_254] : memref<512xf32, #tpu.memory_space<vmem>> -> memref<64xf32, #tpu.memory_space<vmem>>
    %dma_wait3A_256 = arith.constant 64 : i32
    %dma_wait3A_257 = tpu.memref_slice %arg5[%dma_wait3A_256] : memref<512xi32, #tpu.memory_space<vmem>> -> memref<64xi32, #tpu.memory_space<vmem>>
    %dma_wait3A_258 = arith.constant 0 : i32
    %dma_wait3A_259 = tpu.memref_slice %arg2[%dma_wait3A_258] : memref<1000000xf32, #tpu.memory_space<hbm>> -> memref<1000000xf32, #tpu.memory_space<hbm>>
    %dma_wait3A_260 = tpu.memref_slice %arg8[%dma_wait3A_253] : memref<8x!tpu.dma_semaphore, #tpu.memory_space<semaphore_mem>> -> memref<1x!tpu.dma_semaphore, #tpu.memory_space<semaphore_mem>>
    %dma_wait3A_261 = tpu.memref_squeeze %dma_wait3A_260 : memref<1x!tpu.dma_semaphore, #tpu.memory_space<semaphore_mem>> -> memref<!tpu.dma_semaphore, #tpu.memory_space<semaphore_mem>>
    tpu.wait_indirect_dma semaphore(%dma_wait3A_261 : memref<!tpu.dma_semaphore, #tpu.memory_space<semaphore_mem>>) src(%dma_wait3A_259 : memref<1000000xf32, #tpu.memory_space<hbm>>) dst(%dma_wait3A_255 : memref<64xf32, #tpu.memory_space<vmem>>)
    %add3A_262 = arith.constant 64 : i32
    %add3A_263 = arith.addi %mul3A_2, %add3A_262 : i32
    %dma_start3A_264 = arith.constant 1 : i32
    %dma_start3A_265 = arith.constant 64 : i32
    %dma_start3A_266 = tpu.memref_slice %arg6[%dma_start3A_265] : memref<512xf32, #tpu.memory_space<vmem>> -> memref<64xf32, #tpu.memory_space<vmem>>
    %dma_start3A_267 = tpu.memref_slice %arg4[%add3A_263] : memref<16384xf32, #tpu.memory_space<hbm>> -> memref<64xf32, #tpu.memory_space<hbm>>
    %dma_start3A_268 = tpu.memref_slice %arg9[%dma_start3A_264] : memref<8x!tpu.dma_semaphore, #tpu.memory_space<semaphore_mem>> -> memref<1x!tpu.dma_semaphore, #tpu.memory_space<semaphore_mem>>
    %dma_start3A_269 = tpu.memref_squeeze %dma_start3A_268 : memref<1x!tpu.dma_semaphore, #tpu.memory_space<semaphore_mem>> -> memref<!tpu.dma_semaphore, #tpu.memory_space<semaphore_mem>>
    %dma_start3A_270 = tpu.memref_slice %arg4[%add3A_263] : memref<16384xf32, #tpu.memory_space<hbm>> -> memref<64xf32, #tpu.memory_space<hbm>>
    %dma_start3A_271 = arith.constant 64 : i32
    %dma_start3A_272 = tpu.memref_slice %arg6[%dma_start3A_271] : memref<512xf32, #tpu.memory_space<vmem>> -> memref<64xf32, #tpu.memory_space<vmem>>
    tpu.enqueue_dma source(%dma_start3A_272 : memref<64xf32, #tpu.memory_space<vmem>>) target(%dma_start3A_270 : memref<64xf32, #tpu.memory_space<hbm>>) target_semaphore(%dma_start3A_269 : memref<!tpu.dma_semaphore, #tpu.memory_space<semaphore_mem>>)
    %dma_wait3A_273 = arith.constant 2 : i32
    %dma_wait3A_274 = arith.constant 128 : i32
    %dma_wait3A_275 = tpu.memref_slice %arg6[%dma_wait3A_274] : memref<512xf32, #tpu.memory_space<vmem>> -> memref<64xf32, #tpu.memory_space<vmem>>
    %dma_wait3A_276 = arith.constant 128 : i32
    %dma_wait3A_277 = tpu.memref_slice %arg5[%dma_wait3A_276] : memref<512xi32, #tpu.memory_space<vmem>> -> memref<64xi32, #tpu.memory_space<vmem>>
    %dma_wait3A_278 = arith.constant 0 : i32
    %dma_wait3A_279 = tpu.memref_slice %arg2[%dma_wait3A_278] : memref<1000000xf32, #tpu.memory_space<hbm>> -> memref<1000000xf32, #tpu.memory_space<hbm>>
    %dma_wait3A_280 = tpu.memref_slice %arg8[%dma_wait3A_273] : memref<8x!tpu.dma_semaphore, #tpu.memory_space<semaphore_mem>> -> memref<1x!tpu.dma_semaphore, #tpu.memory_space<semaphore_mem>>
    %dma_wait3A_281 = tpu.memref_squeeze %dma_wait3A_280 : memref<1x!tpu.dma_semaphore, #tpu.memory_space<semaphore_mem>> -> memref<!tpu.dma_semaphore, #tpu.memory_space<semaphore_mem>>
    tpu.wait_indirect_dma semaphore(%dma_wait3A_281 : memref<!tpu.dma_semaphore, #tpu.memory_space<semaphore_mem>>) src(%dma_wait3A_279 : memref<1000000xf32, #tpu.memory_space<hbm>>) dst(%dma_wait3A_275 : memref<64xf32, #tpu.memory_space<vmem>>)
    %add3A_282 = arith.constant 128 : i32
    %add3A_283 = arith.addi %mul3A_2, %add3A_282 : i32
    %dma_start3A_284 = arith.constant 2 : i32
    %dma_start3A_285 = arith.constant 128 : i32
    %dma_start3A_286 = tpu.memref_slice %arg6[%dma_start3A_285] : memref<512xf32, #tpu.memory_space<vmem>> -> memref<64xf32, #tpu.memory_space<vmem>>
    %dma_start3A_287 = tpu.memref_slice %arg4[%add3A_283] : memref<16384xf32, #tpu.memory_space<hbm>> -> memref<64xf32, #tpu.memory_space<hbm>>
    %dma_start3A_288 = tpu.memref_slice %arg9[%dma_start3A_284] : memref<8x!tpu.dma_semaphore, #tpu.memory_space<semaphore_mem>> -> memref<1x!tpu.dma_semaphore, #tpu.memory_space<semaphore_mem>>
    %dma_start3A_289 = tpu.memref_squeeze %dma_start3A_288 : memref<1x!tpu.dma_semaphore, #tpu.memory_space<semaphore_mem>> -> memref<!tpu.dma_semaphore, #tpu.memory_space<semaphore_mem>>
    %dma_start3A_290 = tpu.memref_slice %arg4[%add3A_283] : memref<16384xf32, #tpu.memory_space<hbm>> -> memref<64xf32, #tpu.memory_space<hbm>>
    %dma_start3A_291 = arith.constant 128 : i32
    %dma_start3A_292 = tpu.memref_slice %arg6[%dma_start3A_291] : memref<512xf32, #tpu.memory_space<vmem>> -> memref<64xf32, #tpu.memory_space<vmem>>
    tpu.enqueue_dma source(%dma_start3A_292 : memref<64xf32, #tpu.memory_space<vmem>>) target(%dma_start3A_290 : memref<64xf32, #tpu.memory_space<hbm>>) target_semaphore(%dma_start3A_289 : memref<!tpu.dma_semaphore, #tpu.memory_space<semaphore_mem>>)
    %dma_wait3A_293 = arith.constant 3 : i32
    %dma_wait3A_294 = arith.constant 192 : i32
    %dma_wait3A_295 = tpu.memref_slice %arg6[%dma_wait3A_294] : memref<512xf32, #tpu.memory_space<vmem>> -> memref<64xf32, #tpu.memory_space<vmem>>
    %dma_wait3A_296 = arith.constant 192 : i32
    %dma_wait3A_297 = tpu.memref_slice %arg5[%dma_wait3A_296] : memref<512xi32, #tpu.memory_space<vmem>> -> memref<64xi32, #tpu.memory_space<vmem>>
    %dma_wait3A_298 = arith.constant 0 : i32
    %dma_wait3A_299 = tpu.memref_slice %arg2[%dma_wait3A_298] : memref<1000000xf32, #tpu.memory_space<hbm>> -> memref<1000000xf32, #tpu.memory_space<hbm>>
    %dma_wait3A_300 = tpu.memref_slice %arg8[%dma_wait3A_293] : memref<8x!tpu.dma_semaphore, #tpu.memory_space<semaphore_mem>> -> memref<1x!tpu.dma_semaphore, #tpu.memory_space<semaphore_mem>>
    %dma_wait3A_301 = tpu.memref_squeeze %dma_wait3A_300 : memref<1x!tpu.dma_semaphore, #tpu.memory_space<semaphore_mem>> -> memref<!tpu.dma_semaphore, #tpu.memory_space<semaphore_mem>>
    tpu.wait_indirect_dma semaphore(%dma_wait3A_301 : memref<!tpu.dma_semaphore, #tpu.memory_space<semaphore_mem>>) src(%dma_wait3A_299 : memref<1000000xf32, #tpu.memory_space<hbm>>) dst(%dma_wait3A_295 : memref<64xf32, #tpu.memory_space<vmem>>)
    %add3A_302 = arith.constant 192 : i32
    %add3A_303 = arith.addi %mul3A_2, %add3A_302 : i32
    %dma_start3A_304 = arith.constant 3 : i32
    %dma_start3A_305 = arith.constant 192 : i32
    %dma_start3A_306 = tpu.memref_slice %arg6[%dma_start3A_305] : memref<512xf32, #tpu.memory_space<vmem>> -> memref<64xf32, #tpu.memory_space<vmem>>
    %dma_start3A_307 = tpu.memref_slice %arg4[%add3A_303] : memref<16384xf32, #tpu.memory_space<hbm>> -> memref<64xf32, #tpu.memory_space<hbm>>
    %dma_start3A_308 = tpu.memref_slice %arg9[%dma_start3A_304] : memref<8x!tpu.dma_semaphore, #tpu.memory_space<semaphore_mem>> -> memref<1x!tpu.dma_semaphore, #tpu.memory_space<semaphore_mem>>
    %dma_start3A_309 = tpu.memref_squeeze %dma_start3A_308 : memref<1x!tpu.dma_semaphore, #tpu.memory_space<semaphore_mem>> -> memref<!tpu.dma_semaphore, #tpu.memory_space<semaphore_mem>>
    %dma_start3A_310 = tpu.memref_slice %arg4[%add3A_303] : memref<16384xf32, #tpu.memory_space<hbm>> -> memref<64xf32, #tpu.memory_space<hbm>>
    %dma_start3A_311 = arith.constant 192 : i32
    %dma_start3A_312 = tpu.memref_slice %arg6[%dma_start3A_311] : memref<512xf32, #tpu.memory_space<vmem>> -> memref<64xf32, #tpu.memory_space<vmem>>
    tpu.enqueue_dma source(%dma_start3A_312 : memref<64xf32, #tpu.memory_space<vmem>>) target(%dma_start3A_310 : memref<64xf32, #tpu.memory_space<hbm>>) target_semaphore(%dma_start3A_309 : memref<!tpu.dma_semaphore, #tpu.memory_space<semaphore_mem>>)
    %dma_wait3A_313 = arith.constant 4 : i32
    %dma_wait3A_314 = arith.constant 256 : i32
    %dma_wait3A_315 = tpu.memref_slice %arg6[%dma_wait3A_314] : memref<512xf32, #tpu.memory_space<vmem>> -> memref<64xf32, #tpu.memory_space<vmem>>
    %dma_wait3A_316 = arith.constant 256 : i32
    %dma_wait3A_317 = tpu.memref_slice %arg5[%dma_wait3A_316] : memref<512xi32, #tpu.memory_space<vmem>> -> memref<64xi32, #tpu.memory_space<vmem>>
    %dma_wait3A_318 = arith.constant 0 : i32
    %dma_wait3A_319 = tpu.memref_slice %arg2[%dma_wait3A_318] : memref<1000000xf32, #tpu.memory_space<hbm>> -> memref<1000000xf32, #tpu.memory_space<hbm>>
    %dma_wait3A_320 = tpu.memref_slice %arg8[%dma_wait3A_313] : memref<8x!tpu.dma_semaphore, #tpu.memory_space<semaphore_mem>> -> memref<1x!tpu.dma_semaphore, #tpu.memory_space<semaphore_mem>>
    %dma_wait3A_321 = tpu.memref_squeeze %dma_wait3A_320 : memref<1x!tpu.dma_semaphore, #tpu.memory_space<semaphore_mem>> -> memref<!tpu.dma_semaphore, #tpu.memory_space<semaphore_mem>>
    tpu.wait_indirect_dma semaphore(%dma_wait3A_321 : memref<!tpu.dma_semaphore, #tpu.memory_space<semaphore_mem>>) src(%dma_wait3A_319 : memref<1000000xf32, #tpu.memory_space<hbm>>) dst(%dma_wait3A_315 : memref<64xf32, #tpu.memory_space<vmem>>)
    %add3A_322 = arith.constant 256 : i32
    %add3A_323 = arith.addi %mul3A_2, %add3A_322 : i32
    %dma_start3A_324 = arith.constant 4 : i32
    %dma_start3A_325 = arith.constant 256 : i32
    %dma_start3A_326 = tpu.memref_slice %arg6[%dma_start3A_325] : memref<512xf32, #tpu.memory_space<vmem>> -> memref<64xf32, #tpu.memory_space<vmem>>
    %dma_start3A_327 = tpu.memref_slice %arg4[%add3A_323] : memref<16384xf32, #tpu.memory_space<hbm>> -> memref<64xf32, #tpu.memory_space<hbm>>
    %dma_start3A_328 = tpu.memref_slice %arg9[%dma_start3A_324] : memref<8x!tpu.dma_semaphore, #tpu.memory_space<semaphore_mem>> -> memref<1x!tpu.dma_semaphore, #tpu.memory_space<semaphore_mem>>
    %dma_start3A_329 = tpu.memref_squeeze %dma_start3A_328 : memref<1x!tpu.dma_semaphore, #tpu.memory_space<semaphore_mem>> -> memref<!tpu.dma_semaphore, #tpu.memory_space<semaphore_mem>>
    %dma_start3A_330 = tpu.memref_slice %arg4[%add3A_323] : memref<16384xf32, #tpu.memory_space<hbm>> -> memref<64xf32, #tpu.memory_space<hbm>>
    %dma_start3A_331 = arith.constant 256 : i32
    %dma_start3A_332 = tpu.memref_slice %arg6[%dma_start3A_331] : memref<512xf32, #tpu.memory_space<vmem>> -> memref<64xf32, #tpu.memory_space<vmem>>
    tpu.enqueue_dma source(%dma_start3A_332 : memref<64xf32, #tpu.memory_space<vmem>>) target(%dma_start3A_330 : memref<64xf32, #tpu.memory_space<hbm>>) target_semaphore(%dma_start3A_329 : memref<!tpu.dma_semaphore, #tpu.memory_space<semaphore_mem>>)
    %dma_wait3A_333 = arith.constant 5 : i32
    %dma_wait3A_334 = arith.constant 320 : i32
    %dma_wait3A_335 = tpu.memref_slice %arg6[%dma_wait3A_334] : memref<512xf32, #tpu.memory_space<vmem>> -> memref<64xf32, #tpu.memory_space<vmem>>
    %dma_wait3A_336 = arith.constant 320 : i32
    %dma_wait3A_337 = tpu.memref_slice %arg5[%dma_wait3A_336] : memref<512xi32, #tpu.memory_space<vmem>> -> memref<64xi32, #tpu.memory_space<vmem>>
    %dma_wait3A_338 = arith.constant 0 : i32
    %dma_wait3A_339 = tpu.memref_slice %arg2[%dma_wait3A_338] : memref<1000000xf32, #tpu.memory_space<hbm>> -> memref<1000000xf32, #tpu.memory_space<hbm>>
    %dma_wait3A_340 = tpu.memref_slice %arg8[%dma_wait3A_333] : memref<8x!tpu.dma_semaphore, #tpu.memory_space<semaphore_mem>> -> memref<1x!tpu.dma_semaphore, #tpu.memory_space<semaphore_mem>>
    %dma_wait3A_341 = tpu.memref_squeeze %dma_wait3A_340 : memref<1x!tpu.dma_semaphore, #tpu.memory_space<semaphore_mem>> -> memref<!tpu.dma_semaphore, #tpu.memory_space<semaphore_mem>>
    tpu.wait_indirect_dma semaphore(%dma_wait3A_341 : memref<!tpu.dma_semaphore, #tpu.memory_space<semaphore_mem>>) src(%dma_wait3A_339 : memref<1000000xf32, #tpu.memory_space<hbm>>) dst(%dma_wait3A_335 : memref<64xf32, #tpu.memory_space<vmem>>)
    %add3A_342 = arith.constant 320 : i32
    %add3A_343 = arith.addi %mul3A_2, %add3A_342 : i32
    %dma_start3A_344 = arith.constant 5 : i32
    %dma_start3A_345 = arith.constant 320 : i32
    %dma_start3A_346 = tpu.memref_slice %arg6[%dma_start3A_345] : memref<512xf32, #tpu.memory_space<vmem>> -> memref<64xf32, #tpu.memory_space<vmem>>
    %dma_start3A_347 = tpu.memref_slice %arg4[%add3A_343] : memref<16384xf32, #tpu.memory_space<hbm>> -> memref<64xf32, #tpu.memory_space<hbm>>
    %dma_start3A_348 = tpu.memref_slice %arg9[%dma_start3A_344] : memref<8x!tpu.dma_semaphore, #tpu.memory_space<semaphore_mem>> -> memref<1x!tpu.dma_semaphore, #tpu.memory_space<semaphore_mem>>
    %dma_start3A_349 = tpu.memref_squeeze %dma_start3A_348 : memref<1x!tpu.dma_semaphore, #tpu.memory_space<semaphore_mem>> -> memref<!tpu.dma_semaphore, #tpu.memory_space<semaphore_mem>>
    %dma_start3A_350 = tpu.memref_slice %arg4[%add3A_343] : memref<16384xf32, #tpu.memory_space<hbm>> -> memref<64xf32, #tpu.memory_space<hbm>>
    %dma_start3A_351 = arith.constant 320 : i32
    %dma_start3A_352 = tpu.memref_slice %arg6[%dma_start3A_351] : memref<512xf32, #tpu.memory_space<vmem>> -> memref<64xf32, #tpu.memory_space<vmem>>
    tpu.enqueue_dma source(%dma_start3A_352 : memref<64xf32, #tpu.memory_space<vmem>>) target(%dma_start3A_350 : memref<64xf32, #tpu.memory_space<hbm>>) target_semaphore(%dma_start3A_349 : memref<!tpu.dma_semaphore, #tpu.memory_space<semaphore_mem>>)
    %dma_wait3A_353 = arith.constant 6 : i32
    %dma_wait3A_354 = arith.constant 384 : i32
    %dma_wait3A_355 = tpu.memref_slice %arg6[%dma_wait3A_354] : memref<512xf32, #tpu.memory_space<vmem>> -> memref<64xf32, #tpu.memory_space<vmem>>
    %dma_wait3A_356 = arith.constant 384 : i32
    %dma_wait3A_357 = tpu.memref_slice %arg5[%dma_wait3A_356] : memref<512xi32, #tpu.memory_space<vmem>> -> memref<64xi32, #tpu.memory_space<vmem>>
    %dma_wait3A_358 = arith.constant 0 : i32
    %dma_wait3A_359 = tpu.memref_slice %arg2[%dma_wait3A_358] : memref<1000000xf32, #tpu.memory_space<hbm>> -> memref<1000000xf32, #tpu.memory_space<hbm>>
    %dma_wait3A_360 = tpu.memref_slice %arg8[%dma_wait3A_353] : memref<8x!tpu.dma_semaphore, #tpu.memory_space<semaphore_mem>> -> memref<1x!tpu.dma_semaphore, #tpu.memory_space<semaphore_mem>>
    %dma_wait3A_361 = tpu.memref_squeeze %dma_wait3A_360 : memref<1x!tpu.dma_semaphore, #tpu.memory_space<semaphore_mem>> -> memref<!tpu.dma_semaphore, #tpu.memory_space<semaphore_mem>>
    tpu.wait_indirect_dma semaphore(%dma_wait3A_361 : memref<!tpu.dma_semaphore, #tpu.memory_space<semaphore_mem>>) src(%dma_wait3A_359 : memref<1000000xf32, #tpu.memory_space<hbm>>) dst(%dma_wait3A_355 : memref<64xf32, #tpu.memory_space<vmem>>)
    %add3A_362 = arith.constant 384 : i32
    %add3A_363 = arith.addi %mul3A_2, %add3A_362 : i32
    %dma_start3A_364 = arith.constant 6 : i32
    %dma_start3A_365 = arith.constant 384 : i32
    %dma_start3A_366 = tpu.memref_slice %arg6[%dma_start3A_365] : memref<512xf32, #tpu.memory_space<vmem>> -> memref<64xf32, #tpu.memory_space<vmem>>
    %dma_start3A_367 = tpu.memref_slice %arg4[%add3A_363] : memref<16384xf32, #tpu.memory_space<hbm>> -> memref<64xf32, #tpu.memory_space<hbm>>
    %dma_start3A_368 = tpu.memref_slice %arg9[%dma_start3A_364] : memref<8x!tpu.dma_semaphore, #tpu.memory_space<semaphore_mem>> -> memref<1x!tpu.dma_semaphore, #tpu.memory_space<semaphore_mem>>
    %dma_start3A_369 = tpu.memref_squeeze %dma_start3A_368 : memref<1x!tpu.dma_semaphore, #tpu.memory_space<semaphore_mem>> -> memref<!tpu.dma_semaphore, #tpu.memory_space<semaphore_mem>>
    %dma_start3A_370 = tpu.memref_slice %arg4[%add3A_363] : memref<16384xf32, #tpu.memory_space<hbm>> -> memref<64xf32, #tpu.memory_space<hbm>>
    %dma_start3A_371 = arith.constant 384 : i32
    %dma_start3A_372 = tpu.memref_slice %arg6[%dma_start3A_371] : memref<512xf32, #tpu.memory_space<vmem>> -> memref<64xf32, #tpu.memory_space<vmem>>
    tpu.enqueue_dma source(%dma_start3A_372 : memref<64xf32, #tpu.memory_space<vmem>>) target(%dma_start3A_370 : memref<64xf32, #tpu.memory_space<hbm>>) target_semaphore(%dma_start3A_369 : memref<!tpu.dma_semaphore, #tpu.memory_space<semaphore_mem>>)
    %dma_wait3A_373 = arith.constant 7 : i32
    %dma_wait3A_374 = arith.constant 448 : i32
    %dma_wait3A_375 = tpu.memref_slice %arg6[%dma_wait3A_374] : memref<512xf32, #tpu.memory_space<vmem>> -> memref<64xf32, #tpu.memory_space<vmem>>
    %dma_wait3A_376 = arith.constant 448 : i32
    %dma_wait3A_377 = tpu.memref_slice %arg5[%dma_wait3A_376] : memref<512xi32, #tpu.memory_space<vmem>> -> memref<64xi32, #tpu.memory_space<vmem>>
    %dma_wait3A_378 = arith.constant 0 : i32
    %dma_wait3A_379 = tpu.memref_slice %arg2[%dma_wait3A_378] : memref<1000000xf32, #tpu.memory_space<hbm>> -> memref<1000000xf32, #tpu.memory_space<hbm>>
    %dma_wait3A_380 = tpu.memref_slice %arg8[%dma_wait3A_373] : memref<8x!tpu.dma_semaphore, #tpu.memory_space<semaphore_mem>> -> memref<1x!tpu.dma_semaphore, #tpu.memory_space<semaphore_mem>>
    %dma_wait3A_381 = tpu.memref_squeeze %dma_wait3A_380 : memref<1x!tpu.dma_semaphore, #tpu.memory_space<semaphore_mem>> -> memref<!tpu.dma_semaphore, #tpu.memory_space<semaphore_mem>>
    tpu.wait_indirect_dma semaphore(%dma_wait3A_381 : memref<!tpu.dma_semaphore, #tpu.memory_space<semaphore_mem>>) src(%dma_wait3A_379 : memref<1000000xf32, #tpu.memory_space<hbm>>) dst(%dma_wait3A_375 : memref<64xf32, #tpu.memory_space<vmem>>)
    %add3A_382 = arith.constant 448 : i32
    %add3A_383 = arith.addi %mul3A_2, %add3A_382 : i32
    %dma_start3A_384 = arith.constant 7 : i32
    %dma_start3A_385 = arith.constant 448 : i32
    %dma_start3A_386 = tpu.memref_slice %arg6[%dma_start3A_385] : memref<512xf32, #tpu.memory_space<vmem>> -> memref<64xf32, #tpu.memory_space<vmem>>
    %dma_start3A_387 = tpu.memref_slice %arg4[%add3A_383] : memref<16384xf32, #tpu.memory_space<hbm>> -> memref<64xf32, #tpu.memory_space<hbm>>
    %dma_start3A_388 = tpu.memref_slice %arg9[%dma_start3A_384] : memref<8x!tpu.dma_semaphore, #tpu.memory_space<semaphore_mem>> -> memref<1x!tpu.dma_semaphore, #tpu.memory_space<semaphore_mem>>
    %dma_start3A_389 = tpu.memref_squeeze %dma_start3A_388 : memref<1x!tpu.dma_semaphore, #tpu.memory_space<semaphore_mem>> -> memref<!tpu.dma_semaphore, #tpu.memory_space<semaphore_mem>>
    %dma_start3A_390 = tpu.memref_slice %arg4[%add3A_383] : memref<16384xf32, #tpu.memory_space<hbm>> -> memref<64xf32, #tpu.memory_space<hbm>>
    %dma_start3A_391 = arith.constant 448 : i32
    %dma_start3A_392 = tpu.memref_slice %arg6[%dma_start3A_391] : memref<512xf32, #tpu.memory_space<vmem>> -> memref<64xf32, #tpu.memory_space<vmem>>
    tpu.enqueue_dma source(%dma_start3A_392 : memref<64xf32, #tpu.memory_space<vmem>>) target(%dma_start3A_390 : memref<64xf32, #tpu.memory_space<hbm>>) target_semaphore(%dma_start3A_389 : memref<!tpu.dma_semaphore, #tpu.memory_space<semaphore_mem>>)
    %dma_wait3A_393 = arith.constant 0 : i32
    %dma_wait3A_394 = arith.constant 0 : i32
    %dma_wait3A_395 = tpu.memref_slice %arg6[%dma_wait3A_394] : memref<512xf32, #tpu.memory_space<vmem>> -> memref<64xf32, #tpu.memory_space<vmem>>
    %dma_wait3A_396 = tpu.memref_slice %arg4[%add3A_243] : memref<16384xf32, #tpu.memory_space<hbm>> -> memref<64xf32, #tpu.memory_space<hbm>>
    %dma_wait3A_397 = tpu.memref_slice %arg9[%dma_wait3A_393] : memref<8x!tpu.dma_semaphore, #tpu.memory_space<semaphore_mem>> -> memref<1x!tpu.dma_semaphore, #tpu.memory_space<semaphore_mem>>
    %dma_wait3A_398 = tpu.memref_squeeze %dma_wait3A_397 : memref<1x!tpu.dma_semaphore, #tpu.memory_space<semaphore_mem>> -> memref<!tpu.dma_semaphore, #tpu.memory_space<semaphore_mem>>
    %dma_wait3A_399 = tpu.memref_slice %arg4[%add3A_243] : memref<16384xf32, #tpu.memory_space<hbm>> -> memref<64xf32, #tpu.memory_space<hbm>>
    %dma_wait3A_400 = arith.constant 0 : i32
    %dma_wait3A_401 = tpu.memref_slice %arg6[%dma_wait3A_400] : memref<512xf32, #tpu.memory_space<vmem>> -> memref<64xf32, #tpu.memory_space<vmem>>
    tpu.wait_dma2 semaphore(%dma_wait3A_398 : memref<!tpu.dma_semaphore, #tpu.memory_space<semaphore_mem>>) src(%dma_wait3A_401 : memref<64xf32, #tpu.memory_space<vmem>>) dst(%dma_wait3A_399 : memref<64xf32, #tpu.memory_space<hbm>>)
    %dma_wait3A_402 = arith.constant 1 : i32
    %dma_wait3A_403 = arith.constant 64 : i32
    %dma_wait3A_404 = tpu.memref_slice %arg6[%dma_wait3A_403] : memref<512xf32, #tpu.memory_space<vmem>> -> memref<64xf32, #tpu.memory_space<vmem>>
    %dma_wait3A_405 = tpu.memref_slice %arg4[%add3A_263] : memref<16384xf32, #tpu.memory_space<hbm>> -> memref<64xf32, #tpu.memory_space<hbm>>
    %dma_wait3A_406 = tpu.memref_slice %arg9[%dma_wait3A_402] : memref<8x!tpu.dma_semaphore, #tpu.memory_space<semaphore_mem>> -> memref<1x!tpu.dma_semaphore, #tpu.memory_space<semaphore_mem>>
    %dma_wait3A_407 = tpu.memref_squeeze %dma_wait3A_406 : memref<1x!tpu.dma_semaphore, #tpu.memory_space<semaphore_mem>> -> memref<!tpu.dma_semaphore, #tpu.memory_space<semaphore_mem>>
    %dma_wait3A_408 = tpu.memref_slice %arg4[%add3A_263] : memref<16384xf32, #tpu.memory_space<hbm>> -> memref<64xf32, #tpu.memory_space<hbm>>
    %dma_wait3A_409 = arith.constant 64 : i32
    %dma_wait3A_410 = tpu.memref_slice %arg6[%dma_wait3A_409] : memref<512xf32, #tpu.memory_space<vmem>> -> memref<64xf32, #tpu.memory_space<vmem>>
    tpu.wait_dma2 semaphore(%dma_wait3A_407 : memref<!tpu.dma_semaphore, #tpu.memory_space<semaphore_mem>>) src(%dma_wait3A_410 : memref<64xf32, #tpu.memory_space<vmem>>) dst(%dma_wait3A_408 : memref<64xf32, #tpu.memory_space<hbm>>)
    %dma_wait3A_411 = arith.constant 2 : i32
    %dma_wait3A_412 = arith.constant 128 : i32
    %dma_wait3A_413 = tpu.memref_slice %arg6[%dma_wait3A_412] : memref<512xf32, #tpu.memory_space<vmem>> -> memref<64xf32, #tpu.memory_space<vmem>>
    %dma_wait3A_414 = tpu.memref_slice %arg4[%add3A_283] : memref<16384xf32, #tpu.memory_space<hbm>> -> memref<64xf32, #tpu.memory_space<hbm>>
    %dma_wait3A_415 = tpu.memref_slice %arg9[%dma_wait3A_411] : memref<8x!tpu.dma_semaphore, #tpu.memory_space<semaphore_mem>> -> memref<1x!tpu.dma_semaphore, #tpu.memory_space<semaphore_mem>>
    %dma_wait3A_416 = tpu.memref_squeeze %dma_wait3A_415 : memref<1x!tpu.dma_semaphore, #tpu.memory_space<semaphore_mem>> -> memref<!tpu.dma_semaphore, #tpu.memory_space<semaphore_mem>>
    %dma_wait3A_417 = tpu.memref_slice %arg4[%add3A_283] : memref<16384xf32, #tpu.memory_space<hbm>> -> memref<64xf32, #tpu.memory_space<hbm>>
    %dma_wait3A_418 = arith.constant 128 : i32
    %dma_wait3A_419 = tpu.memref_slice %arg6[%dma_wait3A_418] : memref<512xf32, #tpu.memory_space<vmem>> -> memref<64xf32, #tpu.memory_space<vmem>>
    tpu.wait_dma2 semaphore(%dma_wait3A_416 : memref<!tpu.dma_semaphore, #tpu.memory_space<semaphore_mem>>) src(%dma_wait3A_419 : memref<64xf32, #tpu.memory_space<vmem>>) dst(%dma_wait3A_417 : memref<64xf32, #tpu.memory_space<hbm>>)
    %dma_wait3A_420 = arith.constant 3 : i32
    %dma_wait3A_421 = arith.constant 192 : i32
    %dma_wait3A_422 = tpu.memref_slice %arg6[%dma_wait3A_421] : memref<512xf32, #tpu.memory_space<vmem>> -> memref<64xf32, #tpu.memory_space<vmem>>
    %dma_wait3A_423 = tpu.memref_slice %arg4[%add3A_303] : memref<16384xf32, #tpu.memory_space<hbm>> -> memref<64xf32, #tpu.memory_space<hbm>>
    %dma_wait3A_424 = tpu.memref_slice %arg9[%dma_wait3A_420] : memref<8x!tpu.dma_semaphore, #tpu.memory_space<semaphore_mem>> -> memref<1x!tpu.dma_semaphore, #tpu.memory_space<semaphore_mem>>
    %dma_wait3A_425 = tpu.memref_squeeze %dma_wait3A_424 : memref<1x!tpu.dma_semaphore, #tpu.memory_space<semaphore_mem>> -> memref<!tpu.dma_semaphore, #tpu.memory_space<semaphore_mem>>
    %dma_wait3A_426 = tpu.memref_slice %arg4[%add3A_303] : memref<16384xf32, #tpu.memory_space<hbm>> -> memref<64xf32, #tpu.memory_space<hbm>>
    %dma_wait3A_427 = arith.constant 192 : i32
    %dma_wait3A_428 = tpu.memref_slice %arg6[%dma_wait3A_427] : memref<512xf32, #tpu.memory_space<vmem>> -> memref<64xf32, #tpu.memory_space<vmem>>
    tpu.wait_dma2 semaphore(%dma_wait3A_425 : memref<!tpu.dma_semaphore, #tpu.memory_space<semaphore_mem>>) src(%dma_wait3A_428 : memref<64xf32, #tpu.memory_space<vmem>>) dst(%dma_wait3A_426 : memref<64xf32, #tpu.memory_space<hbm>>)
    %dma_wait3A_429 = arith.constant 4 : i32
    %dma_wait3A_430 = arith.constant 256 : i32
    %dma_wait3A_431 = tpu.memref_slice %arg6[%dma_wait3A_430] : memref<512xf32, #tpu.memory_space<vmem>> -> memref<64xf32, #tpu.memory_space<vmem>>
    %dma_wait3A_432 = tpu.memref_slice %arg4[%add3A_323] : memref<16384xf32, #tpu.memory_space<hbm>> -> memref<64xf32, #tpu.memory_space<hbm>>
    %dma_wait3A_433 = tpu.memref_slice %arg9[%dma_wait3A_429] : memref<8x!tpu.dma_semaphore, #tpu.memory_space<semaphore_mem>> -> memref<1x!tpu.dma_semaphore, #tpu.memory_space<semaphore_mem>>
    %dma_wait3A_434 = tpu.memref_squeeze %dma_wait3A_433 : memref<1x!tpu.dma_semaphore, #tpu.memory_space<semaphore_mem>> -> memref<!tpu.dma_semaphore, #tpu.memory_space<semaphore_mem>>
    %dma_wait3A_435 = tpu.memref_slice %arg4[%add3A_323] : memref<16384xf32, #tpu.memory_space<hbm>> -> memref<64xf32, #tpu.memory_space<hbm>>
    %dma_wait3A_436 = arith.constant 256 : i32
    %dma_wait3A_437 = tpu.memref_slice %arg6[%dma_wait3A_436] : memref<512xf32, #tpu.memory_space<vmem>> -> memref<64xf32, #tpu.memory_space<vmem>>
    tpu.wait_dma2 semaphore(%dma_wait3A_434 : memref<!tpu.dma_semaphore, #tpu.memory_space<semaphore_mem>>) src(%dma_wait3A_437 : memref<64xf32, #tpu.memory_space<vmem>>) dst(%dma_wait3A_435 : memref<64xf32, #tpu.memory_space<hbm>>)
    %dma_wait3A_438 = arith.constant 5 : i32
    %dma_wait3A_439 = arith.constant 320 : i32
    %dma_wait3A_440 = tpu.memref_slice %arg6[%dma_wait3A_439] : memref<512xf32, #tpu.memory_space<vmem>> -> memref<64xf32, #tpu.memory_space<vmem>>
    %dma_wait3A_441 = tpu.memref_slice %arg4[%add3A_343] : memref<16384xf32, #tpu.memory_space<hbm>> -> memref<64xf32, #tpu.memory_space<hbm>>
    %dma_wait3A_442 = tpu.memref_slice %arg9[%dma_wait3A_438] : memref<8x!tpu.dma_semaphore, #tpu.memory_space<semaphore_mem>> -> memref<1x!tpu.dma_semaphore, #tpu.memory_space<semaphore_mem>>
    %dma_wait3A_443 = tpu.memref_squeeze %dma_wait3A_442 : memref<1x!tpu.dma_semaphore, #tpu.memory_space<semaphore_mem>> -> memref<!tpu.dma_semaphore, #tpu.memory_space<semaphore_mem>>
    %dma_wait3A_444 = tpu.memref_slice %arg4[%add3A_343] : memref<16384xf32, #tpu.memory_space<hbm>> -> memref<64xf32, #tpu.memory_space<hbm>>
    %dma_wait3A_445 = arith.constant 320 : i32
    %dma_wait3A_446 = tpu.memref_slice %arg6[%dma_wait3A_445] : memref<512xf32, #tpu.memory_space<vmem>> -> memref<64xf32, #tpu.memory_space<vmem>>
    tpu.wait_dma2 semaphore(%dma_wait3A_443 : memref<!tpu.dma_semaphore, #tpu.memory_space<semaphore_mem>>) src(%dma_wait3A_446 : memref<64xf32, #tpu.memory_space<vmem>>) dst(%dma_wait3A_444 : memref<64xf32, #tpu.memory_space<hbm>>)
    %dma_wait3A_447 = arith.constant 6 : i32
    %dma_wait3A_448 = arith.constant 384 : i32
    %dma_wait3A_449 = tpu.memref_slice %arg6[%dma_wait3A_448] : memref<512xf32, #tpu.memory_space<vmem>> -> memref<64xf32, #tpu.memory_space<vmem>>
    %dma_wait3A_450 = tpu.memref_slice %arg4[%add3A_363] : memref<16384xf32, #tpu.memory_space<hbm>> -> memref<64xf32, #tpu.memory_space<hbm>>
    %dma_wait3A_451 = tpu.memref_slice %arg9[%dma_wait3A_447] : memref<8x!tpu.dma_semaphore, #tpu.memory_space<semaphore_mem>> -> memref<1x!tpu.dma_semaphore, #tpu.memory_space<semaphore_mem>>
    %dma_wait3A_452 = tpu.memref_squeeze %dma_wait3A_451 : memref<1x!tpu.dma_semaphore, #tpu.memory_space<semaphore_mem>> -> memref<!tpu.dma_semaphore, #tpu.memory_space<semaphore_mem>>
    %dma_wait3A_453 = tpu.memref_slice %arg4[%add3A_363] : memref<16384xf32, #tpu.memory_space<hbm>> -> memref<64xf32, #tpu.memory_space<hbm>>
    %dma_wait3A_454 = arith.constant 384 : i32
    %dma_wait3A_455 = tpu.memref_slice %arg6[%dma_wait3A_454] : memref<512xf32, #tpu.memory_space<vmem>> -> memref<64xf32, #tpu.memory_space<vmem>>
    tpu.wait_dma2 semaphore(%dma_wait3A_452 : memref<!tpu.dma_semaphore, #tpu.memory_space<semaphore_mem>>) src(%dma_wait3A_455 : memref<64xf32, #tpu.memory_space<vmem>>) dst(%dma_wait3A_453 : memref<64xf32, #tpu.memory_space<hbm>>)
    %dma_wait3A_456 = arith.constant 7 : i32
    %dma_wait3A_457 = arith.constant 448 : i32
    %dma_wait3A_458 = tpu.memref_slice %arg6[%dma_wait3A_457] : memref<512xf32, #tpu.memory_space<vmem>> -> memref<64xf32, #tpu.memory_space<vmem>>
    %dma_wait3A_459 = tpu.memref_slice %arg4[%add3A_383] : memref<16384xf32, #tpu.memory_space<hbm>> -> memref<64xf32, #tpu.memory_space<hbm>>
    %dma_wait3A_460 = tpu.memref_slice %arg9[%dma_wait3A_456] : memref<8x!tpu.dma_semaphore, #tpu.memory_space<semaphore_mem>> -> memref<1x!tpu.dma_semaphore, #tpu.memory_space<semaphore_mem>>
    %dma_wait3A_461 = tpu.memref_squeeze %dma_wait3A_460 : memref<1x!tpu.dma_semaphore, #tpu.memory_space<semaphore_mem>> -> memref<!tpu.dma_semaphore, #tpu.memory_space<semaphore_mem>>
    %dma_wait3A_462 = tpu.memref_slice %arg4[%add3A_383] : memref<16384xf32, #tpu.memory_space<hbm>> -> memref<64xf32, #tpu.memory_space<hbm>>
    %dma_wait3A_463 = arith.constant 448 : i32
    %dma_wait3A_464 = tpu.memref_slice %arg6[%dma_wait3A_463] : memref<512xf32, #tpu.memory_space<vmem>> -> memref<64xf32, #tpu.memory_space<vmem>>
    tpu.wait_dma2 semaphore(%dma_wait3A_461 : memref<!tpu.dma_semaphore, #tpu.memory_space<semaphore_mem>>) src(%dma_wait3A_464 : memref<64xf32, #tpu.memory_space<vmem>>) dst(%dma_wait3A_462 : memref<64xf32, #tpu.memory_space<hbm>>)
    return
  }
}

</mosaic_0001>

<sc_bundles>
// kernel: kernel.3.cloned.1.call-start
scs
__scs_entry_jumppad:
0x0: {  	(pc) =	sbr.rel $0x88, $3  }
0x1: {  	(tag) =	ssettag $0x0;
	lr =	simm.s32 $0x1  }
0x2: {  	[smem:$0x3F9F] =	sst lr;
	_ =	strace $0xD0000000  }
0x3: {  	_ = 	snop  }
0x4: {  	_ = 	snop  }
0x5: {  	_ = 	snop  }
0x6: {  	_ = 	snop  }
0x7: {  	_ = 	snop  }
__scs_overlays_trampoline_lowered:
0x8: {  	[smem:$0x3FAE] =	sst s0  }
0x9: {  	[smem:$0x3FAF] =	sst s1  }
0xa: {  	[smem:$0x3FB0] =	sst s2  }
0xb: {  	[smem:$0x3FB1] =	sst s3  }
0xc: {  	[smem:$0x3FB2] =	sst s4  }
0xd: {  	[smem:$0x3FB3] =	sst s5  }
0xe: {  	[smem:$0x3FB4] =	sst s6  }
0xf: {  	[smem:$0x3FB5] =	sst s7  }
0x10: {  	[smem:$0x3FB6] =	sst s8  }
0x11: {  	[smem:$0x3FB7] =	sst s9;
	s0 =	simm.s32 @!p0 $0x0  }
0x12: {  	s1 =	sld [smem:$0x3F9D];
	s0 =	simm.s32 @p0 $0x1  }
0x13: {  	[smem:$0x3FB8] =	sst s0;
	s0 =	simm.s32 @!p1 $0x0  }
0x14: {  	s2 =	sld [smem:$0x3F9C];
	s0 =	simm.s32 @p1 $0x1  }
0x15: {  	[smem:$0x3FB9] =	sst s0;
	s0 =	simm.s32 @!p2 $0x0  }
0x16: {  	s3 =	sld [smem:$0x3FDB];
	s0 =	simm.s32 @p2 $0x1  }
0x17: {  	s4 =	simm.s32 $0x1BF5;
	[smem:$0x3FBB] =	sst s0  }
0x18: {  	s0 =	sld [smem:$0x3F9E];
	_ =	swait.ge [sflag:s4], $0x0  }
0x19: {  	s7 =	sld [smem:$0x3F9F]  }
0x1a: {  	s8 =	sadd.s32 $0xFFFFE003, lr  }
0x1b: {  	s9 =	sadd.s32 $0xFFFFFEF7, lr;
	s5 =	simm.s32 $0xFFFFFFFF;
	p2 =	slt.u32 s8, $0xFFFFF086  }
0x1c: {  	p1 =	slt.u32 s9, $0xF7A;
	s5 =	simm.s32 @!p2 $0x0  }
0x1d: {  	s5 =	simm.s32 @p1 $0x1;
	p0 =	seq.s32 s7, s2  }
0x1e: {  	s7 =	smul.u32 @!p0 $0xF7A, s2;
	p2 =	seq.s32 @!p0 s5, $0x0  }
0x1f: {  	s9 =	smul.u32 $0xF7A, s1;
	s8 =	simm.s32 @!p0 $0x1BF5;
	p2 =	por !p2, p0  }
0x20: {  	[sflag:s8] =	ssyncset.s32 @!p0 $0xFFFFF086;
	s6 =	sadd.s32 @!p0 s3, s7;
	s7 =	simm.s32 @!p0 $0x108  }
0x21: {  	s3 =	sadd.s32 s3, s9;
	s6 =	sadd.s32 @!p0 $0x88, s6;
	s7 =	simm.s32 @p2 $0x1082  }
0x22: {  	[simem:s7], [sflag:s8] =	dma.local @!p0 [hbm:s6], $0xF7A  }
0x23: {  	s9 =	sor.u32 $0xD0000000, s2;
	s6 =	simm.s32 $0x108;
	_ =	swait.ge @!p0 [sflag:s8], $0x0  }
0x24: {  	s3 =	sadd.s32 $0x88, s3;
	s6 =	simm.s32 @!p1 $0x1082;
	[sflag:s4] =	ssyncset.s32 $0xFFFFF086  }
0x25: {  	[simem:s6], [sflag:s4] =	dma.local [hbm:s3], $0xF7A  }
0x26: {  	[smem:$0x3F9F] =	sst s1;
	(tag) =	ssettag s2;
	_ =	strace s9  }
0x27: {  	s1 =	sld [smem:$0x3FAF]  }
0x28: {  	s2 =	sld [smem:$0x3FB0]  }
0x29: {  	s4 =	sld [smem:$0x3FB2]  }
0x2a: {  	p0 =	seq.s32 s5, $0x0;
	s5 =	sld [smem:$0x3FB3]  }
0x2b: {  	s6 =	sld [smem:$0x3FB4]  }
0x2c: {  	s7 =	sld [smem:$0x3FB5]  }
0x2d: {  	s3 =	simm.s32 $0x108;
	s8 =	sld [smem:$0x3FB6]  }
0x2e: {  	s3 =	simm.s32 @!p0 $0x1082;
	s9 =	sld [smem:$0x3FB7]  }
0x2f: {  	lr =	sadd.s32 s0, s3;
	s0 =	sld [smem:$0x3FAE]  }
0x30: {  	s3 =	sld [smem:$0x3FB1]  }
0x31: {  	[smem:$0x3FBA] =	sst s10  }
0x32: {  	s10 =	sld [smem:$0x3FB8];
	_ =	sdelay $0x3  }
0x33: {  	p0 =	seq.s32 s10, $0x1;
	s10 =	sld [smem:$0x3FBA];
	_ =	sdelay $0x3  }
0x34: {  	[smem:$0x3FBA] =	sst s10  }
0x35: {  	s10 =	sld [smem:$0x3FB9];
	_ =	sdelay $0x3  }
0x36: {  	p1 =	seq.s32 s10, $0x1;
	s10 =	sld [smem:$0x3FBA];
	_ =	sdelay $0x3  }
0x37: {  	[smem:$0x3FBA] =	sst s10  }
0x38: {  	s10 =	sld [smem:$0x3FBB]  }
0x39: {  	_ = 	snop;
	(pc) =	sbr.ind lr, $3  }
0x3a: {  	_ = 	snop  }
0x3b: {  	_ = 	snop  }
0x3c: {  	p2 =	seq.s32 s10, $0x1;
	s10 =	sld [smem:$0x3FBA]  }
0x3d: {  	_ =	shalt  }
0x3e: {  	_ =	shalt  }
0x3f: {  	_ =	shalt  }
0x40: {  	_ =	shalt  }
0x41: {  	_ =	shalt  }
0x42: {  	_ =	shalt  }
0x43: {  	_ =	shalt  }
0x44: {  	_ =	shalt  }
0x45: {  	_ =	shalt  }
0x46: {  	_ =	shalt  }
0x47: {  	_ =	shalt  }
0x48: {  	_ =	shalt  }
0x49: {  	_ =	shalt  }
0x4a: {  	_ =	shalt  }
0x4b: {  	_ =	shalt  }
0x4c: {  	_ =	shalt  }
0x4d: {  	_ =	shalt  }
0x4e: {  	_ =	shalt  }
0x4f: {  	_ =	shalt  }
0x50: {  	_ =	shalt  }
0x51: {  	_ =	shalt  }
0x52: {  	_ =	shalt  }
0x53: {  	_ =	shalt  }
0x54: {  	_ =	shalt  }
0x55: {  	_ =	shalt  }
0x56: {  	_ =	shalt  }
0x57: {  	_ =	shalt  }
0x58: {  	_ =	shalt  }
0x59: {  	_ =	shalt  }
0x5a: {  	_ =	shalt  }
0x5b: {  	_ =	shalt  }
0x5c: {  	_ =	shalt  }
0x5d: {  	_ =	shalt  }
0x5e: {  	_ =	shalt  }
0x5f: {  	_ =	shalt  }
0x60: {  	_ =	shalt  }
0x61: {  	_ =	shalt  }
0x62: {  	_ =	shalt  }
0x63: {  	_ =	shalt  }
0x64: {  	_ =	shalt  }
0x65: {  	_ =	shalt  }
0x66: {  	_ =	shalt  }
0x67: {  	_ =	shalt  }
0x68: {  	_ =	shalt  }
0x69: {  	_ =	shalt  }
0x6a: {  	_ =	shalt  }
0x6b: {  	_ =	shalt  }
0x6c: {  	_ =	shalt  }
0x6d: {  	_ =	shalt  }
0x6e: {  	_ =	shalt  }
0x6f: {  	_ =	shalt  }
0x70: {  	_ =	shalt  }
0x71: {  	_ =	shalt  }
0x72: {  	_ =	shalt  }
0x73: {  	_ =	shalt  }
0x74: {  	_ =	shalt  }
0x75: {  	_ =	shalt  }
0x76: {  	_ =	shalt  }
0x77: {  	_ =	shalt  }
0x78: {  	_ =	shalt  }
0x79: {  	_ =	shalt  }
0x7a: {  	_ =	shalt  }
0x7b: {  	_ =	shalt  }
0x7c: {  	_ =	shalt  }
0x7d: {  	_ =	shalt  }
0x7e: {  	_ =	shalt  }
0x7f: {  	_ =	shalt  }
0x80: {  	_ =	shalt  }
0x81: {  	_ =	shalt  }
0x82: {  	_ =	shalt  }
0x83: {  	_ =	shalt  }
0x84: {  	_ =	shalt  }
0x85: {  	_ =	shalt  }
0x86: {  	_ =	shalt  }
0x87: {  	_ =	shalt  }
.Lfunc_end0:
.L_simem_size_0:
called_computation_lowered:
.L_overlay_start_0:
0x88: {  	s2 =	sld [smem:$0x3FD9]  }
0x89: {  	s3 =	sld [smem:$0x3FFE];
	_ =	sdelay $0x1  }
0x8a: {  	s1 =	srdreg.scid  }
0x8b: {  	s0 =	sand.u32 $0x1, s1  }
0x8c: {  	s18 =	sshll.u32 s0, $0xA;
	s2 =	sadd.s32 s3, s2  }
0x8d: {  	s2 =	sadd.s32 s2, s18  }
0x8e: {  	[smem:$0x3FC6] =	sst s2  }
0x8f: {  	_ = 	snop  }
0x90: {  	s2 =	sld [smem:$0x3FC9]  }
0x91: {  	s19 =	sld [smem:$0x3FC8]  }
0x92: {  	s4 =	sld [smem:$0x3FD0];
	(tm) =	ssettm $0x1  }
0x93: {  	s5 =	sld [smem:$0x3FFB];
	_ =	sdelay $0x3  }
0x94: {  	_ =	strace s5  }
0x95: {  	s5 =	sld [smem:$0x3FFC];
	_ =	sdelay $0x3  }
0x96: {  	_ =	strace s5  }
0x97: {  	s5 =	sld [smem:$0x3FFD];
	_ =	sdelay $0x3  }
0x98: {  	_ =	strace s5  }
0x99: {  	_ =	strace $0x8FFFFFFF  }
0x9a: {  	s20 =	sld [smem:$0x3FDB];
	_ =	sdelay $0x1  }
0x9b: {  	s6 =	simm.s32 $_scs_section_size  }
0x9c: {  	s7 =	simm.s32 $_size__tile_overlayer_lowered;
	s8 =	simm.s32 $_tile_overlayer_lowered  }
0x9d: {  	s23 =	simm.s32 $0x1BFF;
	s22 =	sshll.u32 s8, $0x1;
	s5 =	sadd.s32 s6, s20  }
0x9e: {  	s9 =	simm.s32 $0x0;
	s21 =	sshll.u32 s7, $0x1;
	s7 =	sadd.s32 s22, s5  }
0x9f: {  	[timem:s9], [sflag:s23] =	dma.local [hbm:s7], s21  }
0xa0: {  	_ =	swait.ge [sflag:s23], s21  }
0xa1: {  	s6 =	ssub.s32 $0x0, s21;
	[sflag:s23] =	ssyncset.done $0x0  }
0xa2: {  	[sflag:s23] =	ssyncadd.s32 s6;
	_ =	sdelay $0x1  }
0xa3: {  	s24 =	simm.s32 $0x1B8B  }
0xa4: {  	_ =	swait.ge [sflag:s24], $0x1  }
0xa5: {  	[sflag:s24] =	ssyncset.done $0x0  }
0xa6: {  	s25 =	simm.s32 $0x1B8E;
	[sflag:s24] =	ssyncadd.s32 $0xFFFFFFFF  }
0xa7: {  	s26 =	simm.s32 $execute0_lowered;
	[smem:$0x3FD2] =	sst s25  }
0xa8: {  	s6 =	sshll.u32 s26, $0x1;
	_ =	strace $0x80000046;
	[dreg:$0x1] =	wrdreg $0xFFFFFFFF  }
0xa9: {  	s28 =	simm.s32 $_size_execute0_lowered;
	s5 =	sadd.s32 s5, s6;
	[dreg:$0x0] =	wrdreg $0x0  }
0xaa: {  	s6 =	sshll.u32 s28, $0x1;
	[dreg:$0x2] =	wrdreg s5  }
0xab: {  	[dreg:$0x3] =	wrdreg s6  }
0xac: {  	[dreg:$0x4] =	wrdreg $0xC0  }
0xad: {  	_ =	task [dreg:s9], $0x5FFFF  }
0xae: {  	[dreg:$0x1] =	wrdreg $0xFFFFFFFF  }
0xaf: {  	[dreg:$0x0] =	wrdreg $0x60  }
0xb0: {  	[dreg:$0x2] =	wrdreg s2  }
0xb1: {  	[dreg:$0x3] =	wrdreg s19  }
0xb2: {  	[dreg:$0x4] =	wrdreg s4  }
0xb3: {  	[dreg:$0x5] =	wrdreg $0x9  }
0xb4: {  	_ =	task.clear_ibuf [dreg:s9], $0x6FFFF;
	_ =	strace $0x90000046  }
0xb5: {  	s29 =	simm.s32 $0x9;
	_ =	strace $0x80000048  }
0xb6: {  	_ =	swait.ge [sflag:s29], $0x1  }
0xb7: {  	[sflag:s29] =	ssyncadd.s32 $0xFFFFFFFF  }
0xb8: {  	_ =	strace $0x90000048  }
0xb9: {  	_ =	sfence  }
0xba: {  	s30 =	sld [smem:$0x0];
	_ =	sdelay $0x2  }
0xbb: {  	s31 =	sshll.u32 s1, $0xD;
	s1 =	sshrl.u32 s1, $0x2  }
0xbc: {  	s3 =	sand.u32 $0x4000, s31;
	s1 =	sadd.s32 s1, s30  }
0xbd: {  	s0 =	sor.u32 s3, s0;
	s1 =	sshll.u32 s1, $0x11  }
0xbe: {  	s0 =	sor.u32 s1, s0  }
0xbf: {  	s0 =	sadd.s32 $0x8F2B, s0  }
0xc0: {  	[sflag:s0] =	ssyncadd.remote.s32 $0x1  }
0xc1: {  	_ =	sfence.sel $0xFFFF  }
0xc2: {  	[dreg:$0x0] =	wrdreg $0xFFFFFFFF;
	(pc) =	sbr.abs _section_cstart, $3  }
0xc3: {  	[dreg:$0x1] =	wrdreg $0xFFFFFFFF  }
0xc4: {  	_ =	task.clear_ibuf [dreg:s9], $0x2FFFF;
	_ =	strace $0x9FFFFFFF  }
0xc5: {  	(tm) =	ssettm $0x7FFFFFFF  }
tec
execute0_lowered:
.L_overlay_start_1:
0x0: {  	(tag) =	ssettag $0x1  }
0x1: {  	s3 =	rddreg [dreg:$0x0]  }
0x2: {  	s0 =	rddreg [dreg:$0x1]  }
0x3: {  	s1 =	rddreg [dreg:$0x2];
	s2 =	srdreg.scid  }
0x4: {  	s5 =	stileid.u32;
	s30 =	simm.s32 $0x100;
	s28 =	simm.s32 $0x280  }
0x5: {  	p0 =	por $0x0, $0x0;
	s4 =	sand.u32 $0x1, s2;
	s2 =	simm.s32 $0x0  }
0x6: {  	s5 =	sshll.u32 s5, $0x7;
	s6 =	sshll.u32 s4, $0x6;
	[smem:$0x7FF] =	sst s2  }
0x7: {  	s4 =	ssub.s32 $0x2, s4;
	s5 =	sor.u32 s6, s5;
	_ =	strace $0x80000047  }
0x8: {  	s24 =	sshrl.u32 s4, $0x1;
	s6 =	sadd.s32 s0, s5;
	s7 =	sor.u32 $0x8, s5  }
0x9: {  	s8 =	sor.u32 $0x10, s5;
	s9 =	sor.u32 $0x18, s5;
	s10 =	sor.u32 $0x20, s5  }
0xa: {  	s11 =	sor.u32 $0x28, s5;
	s18 =	sadd.s32 s1, s5;
	[dreg:$0x4] =	wrdreg s6  }
0xb: {  	s4 =	ssub.s32 s4, s24;
	s12 =	sadd.s32 s0, s7;
	[dreg:$0xc] =	wrdreg s18  }
0xc: {  	s24 =	simm.s32 $0x140;
	s13 =	sadd.s32 s0, s8;
	[dreg:$0x5] =	wrdreg s12  }
0xd: {  	s14 =	sadd.s32 s0, s9;
	s15 =	sadd.s32 s0, s10;
	[dreg:$0x6] =	wrdreg s13  }
0xe: {  	s16 =	sadd.s32 s0, s11;
	s19 =	sadd.s32 s1, s7;
	[dreg:$0x7] =	wrdreg s14  }
0xf: {  	s20 =	sadd.s32 s1, s8;
	s21 =	sadd.s32 s1, s9;
	[dreg:$0x8] =	wrdreg s15  }
0x10: {  	s22 =	sadd.s32 s1, s10;
	s23 =	sadd.s32 s1, s11;
	[dreg:$0x9] =	wrdreg s16  }
0x11: {  	s29 =	smax.u32 s4, $0x1;
	s9 =	simm.s32 $0x240;
	[dreg:$0xd] =	wrdreg s19  }
0x12: {  	s18 =	simm.s32 $0xD;
	s7 =	simm.s32 $0x11;
	[dreg:$0xe] =	wrdreg s20  }
0x13: {  	s6 =	simm.s32 $0x12;
	s11 =	simm.s32 $0x13;
	[dreg:$0xf] =	wrdreg s21  }
0x14: {  	s10 =	simm.s32 $0x14;
	s12 =	sor.u32 $0x30, s5;
	[dreg:$0x10] =	wrdreg s22  }
0x15: {  	s13 =	sor.u32 $0x38, s5;
	[dreg:$0x11] =	wrdreg s23;
	s20 =	simm.s32 $0x40  }
0x16: {  	s21 =	simm.s32 $0x180;
	s16 =	simm.s32 $0x1C0;
	s14 =	simm.s32 $0x200  }
0x17: {  	s22 =	simm.s32 $0x2C0;
	p1 =	sne.s32 s29, $0x1;
	s8 =	sadd.s32 $0xFFFFFFFF, s29  }
0x18: {  	s23 =	simm.s32 $0xC;
	s31 =	rddreg [dreg:$0x4];
	s17 =	sadd.s32 s0, s12  }
.Ltmp0:
0x19: {  	s0 =	sadd.s32 s0, s13;
	[dreg:$0xa] =	wrdreg s17;
	(pc) =	sbr.rel @!p1 .LBB2_5-.Ltmp0, $4  }
0x1a: {  	s5 =	simm.s32 $0x18;
	s25 =	sadd.s32 s1, s12;
	[dreg:$0xb] =	wrdreg s0  }
0x1b: {  	s26 =	sadd.s32 s1, s13;
	s13 =	simm.s32 $0x340;
	[dreg:$0x12] =	wrdreg s25  }
0x1c: {  	s12 =	simm.s32 $0xE;
	s1 =	simm.s32 $0xF;
	[dreg:$0x13] =	wrdreg s26  }
0x1d: {  	s17 =	simm.s32 $0x300;
	s26 =	simm.s32 $0xB;
	s25 =	simm.s32 $0x10  }
0x1e: {  	[tilespmem:s2], [sflag:$0x1] =	stream.linear.gather [hbm4b:s31+s2], $0x40, $0x38;
	[tilespmem:$0x400] =	vst v63  }
0x1f: {  	s29 =	rddreg [dreg:$0x5]  }
0x20: {  	[tilespmem:s20], [sflag:$0x2] =	stream.linear.gather [hbm4b:s29+s2], $0x40, $0x38;
	[tilespmem:$0x400] =	vst v63  }
0x21: {  	s31 =	rddreg [dreg:$0x6];
	s0 =	simm.s32 $0x80  }
0x22: {  	[tilespmem:s0], [sflag:$0x3] =	stream.linear.gather [hbm4b:s31+s2], $0x40, $0x38;
	[tilespmem:$0x400] =	vst v63  }
0x23: {  	s4 =	simm.s32 $0xC0;
	s29 =	rddreg [dreg:$0x7]  }
0x24: {  	[tilespmem:s4], [sflag:$0x4] =	stream.linear.gather [hbm4b:s29+s2], $0x40, $0x38;
	[tilespmem:$0x400] =	vst v63  }
0x25: {  	s31 =	rddreg [dreg:$0x8]  }
0x26: {  	[tilespmem:s30], [sflag:$0x5] =	stream.linear.gather [hbm4b:s31+s2], $0x40, $0x38;
	[tilespmem:$0x400] =	vst v63  }
0x27: {  	s29 =	rddreg [dreg:$0x9]  }
0x28: {  	[tilespmem:s24], [sflag:$0x6] =	stream.linear.gather [hbm4b:s29+s2], $0x40, $0x38;
	[tilespmem:$0x400] =	vst v63  }
0x29: {  	s31 =	rddreg [dreg:$0xa]  }
0x2a: {  	[tilespmem:s21], [sflag:$0x7] =	stream.linear.gather [hbm4b:s31+s2], $0x40, $0x38;
	[tilespmem:$0x400] =	vst v63  }
0x2b: {  	s29 =	rddreg [dreg:$0xb]  }
0x2c: {  	[tilespmem:s16], [sflag:$0x8] =	stream.linear.gather [hbm4b:s29+s2], $0x40, $0x38;
	[tilespmem:$0x400] =	vst v63  }
0x2d: {  	s29 =	simm.s32 $0x1  }
0x2e: {  	_ =	swait.ge [sflag:s29], $0x40  }
0x2f: {  	[sflag:s29] =	ssyncset.done $0x0  }
0x30: {  	[sflag:s29] =	ssyncadd.s32 $0xFFFFFFC0;
	s29 =	simm.s32 $0x2  }
0x31: {  	[tilespmem:s14], [sflag:$0x9] =	stream.indirect.gather [hbm4b:s3+s20], $0x1, s2, s20, $0xb8;
	[tilespmem:$0x400] =	vst v63  }
0x32: {  	_ =	swait.ge [sflag:s29], $0x40  }
0x33: {  	[sflag:s29] =	ssyncset.done $0x0  }
0x34: {  	[sflag:s29] =	ssyncadd.s32 $0xFFFFFFC0;
	s29 =	simm.s32 $0x3  }
0x35: {  	[tilespmem:s9], [sflag:$0xA] =	stream.indirect.gather [hbm4b:s3+s20], $0x1, s20, s20, $0xb8;
	[tilespmem:$0x400] =	vst v63  }
0x36: {  	_ =	swait.ge [sflag:s29], $0x40  }
0x37: {  	[sflag:s29] =	ssyncset.done $0x0  }
0x38: {  	[sflag:s29] =	ssyncadd.s32 $0xFFFFFFC0  }
0x39: {  	[tilespmem:s28], [sflag:$0xB] =	stream.indirect.gather [hbm4b:s3+s20], $0x1, s0, s20, $0xb8;
	[tilespmem:$0x400] =	vst v63  }
0x3a: {  	s0 =	simm.s32 $0x4  }
0x3b: {  	_ =	swait.ge [sflag:s0], $0x40  }
0x3c: {  	[sflag:s0] =	ssyncset.done $0x0  }
0x3d: {  	[sflag:s0] =	ssyncadd.s32 $0xFFFFFFC0  }
0x3e: {  	[tilespmem:s22], [sflag:$0xC] =	stream.indirect.gather [hbm4b:s3+s20], $0x1, s4, s20, $0xb8;
	[tilespmem:$0x400] =	vst v63  }
0x3f: {  	s4 =	simm.s32 $0x5  }
0x40: {  	_ =	swait.ge [sflag:s4], $0x40  }
0x41: {  	[sflag:s4] =	ssyncset.done $0x0  }
0x42: {  	[sflag:s4] =	ssyncadd.s32 $0xFFFFFFC0;
	s4 =	simm.s32 $0x6  }
0x43: {  	[tilespmem:s17], [sflag:$0xD] =	stream.indirect.gather [hbm4b:s3+s20], $0x1, s30, s20, $0xb8;
	[tilespmem:$0x400] =	vst v63  }
0x44: {  	_ =	swait.ge [sflag:s4], $0x40  }
0x45: {  	[sflag:s4] =	ssyncset.done $0x0  }
0x46: {  	s30 =	simm.s32 $0x7;
	[sflag:s4] =	ssyncadd.s32 $0xFFFFFFC0  }
0x47: {  	[tilespmem:s13], [sflag:$0xE] =	stream.indirect.gather [hbm4b:s3+s20], $0x1, s24, s20, $0xb8;
	[tilespmem:$0x400] =	vst v63  }
0x48: {  	_ =	swait.ge [sflag:s30], $0x40  }
0x49: {  	[sflag:s30] =	ssyncset.done $0x0  }
0x4a: {  	s4 =	simm.s32 $0x380;
	[sflag:s30] =	ssyncadd.s32 $0xFFFFFFC0  }
0x4b: {  	[tilespmem:s4], [sflag:$0xF] =	stream.indirect.gather [hbm4b:s3+s20], $0x1, s21, s20, $0xb8;
	[tilespmem:$0x400] =	vst v63  }
0x4c: {  	s21 =	simm.s32 $0x8  }
0x4d: {  	_ =	swait.ge [sflag:s21], $0x40  }
0x4e: {  	[sflag:s21] =	ssyncset.done $0x0  }
0x4f: {  	s30 =	simm.s32 $0x3C0;
	[sflag:s21] =	ssyncadd.s32 $0xFFFFFFC0  }
0x50: {  	[tilespmem:s30], [sflag:$0x10] =	stream.indirect.gather [hbm4b:s3+s20], $0x1, s16, s20, $0xb8;
	[tilespmem:$0x400] =	vst v63  }
0x51: {  	s16 =	simm.s32 $0x9  }
0x52: {  	_ =	swait.ge [sflag:s16], $0x40  }
0x53: {  	[sflag:s16] =	ssyncset.done $0x0  }
0x54: {  	s21 =	simm.s32 $0xA;
	s29 =	rddreg [dreg:$0xc];
	[sflag:s16] =	ssyncadd.s32 $0xFFFFFFC0  }
0x55: {  	[hbm4b:s29+s2] =	stream.linear.scatter [tilespmem:s14], [sflag:$0x11], $0x40, $0x38;
	[tilespmem:$0x400] =	vst v63  }
0x56: {  	_ =	swait.ge [sflag:s21], $0x40  }
0x57: {  	[sflag:s21] =	ssyncset.done $0x0  }
0x58: {  	s29 =	rddreg [dreg:$0xd];
	[sflag:s21] =	ssyncadd.s32 $0xFFFFFFC0  }
0x59: {  	[hbm4b:s29+s2] =	stream.linear.scatter [tilespmem:s9], [sflag:$0x12], $0x40, $0x38;
	[tilespmem:$0x400] =	vst v63  }
0x5a: {  	_ =	swait.ge [sflag:s26], $0x40  }
0x5b: {  	[sflag:s26] =	ssyncset.done $0x0  }
0x5c: {  	s29 =	rddreg [dreg:$0xe];
	[sflag:s26] =	ssyncadd.s32 $0xFFFFFFC0  }
0x5d: {  	[hbm4b:s29+s2] =	stream.linear.scatter [tilespmem:s28], [sflag:$0x13], $0x40, $0x38;
	[tilespmem:$0x400] =	vst v63  }
0x5e: {  	_ =	swait.ge [sflag:s23], $0x40  }
0x5f: {  	[sflag:s23] =	ssyncset.done $0x0  }
0x60: {  	s29 =	rddreg [dreg:$0xf];
	[sflag:s23] =	ssyncadd.s32 $0xFFFFFFC0  }
0x61: {  	[hbm4b:s29+s2] =	stream.linear.scatter [tilespmem:s22], [sflag:$0x14], $0x40, $0x38;
	[tilespmem:$0x400] =	vst v63  }
0x62: {  	_ =	swait.ge [sflag:s18], $0x40  }
0x63: {  	[sflag:s18] =	ssyncset.done $0x0  }
0x64: {  	s29 =	rddreg [dreg:$0x10];
	[sflag:s18] =	ssyncadd.s32 $0xFFFFFFC0  }
0x65: {  	[hbm4b:s29+s2] =	stream.linear.scatter [tilespmem:s17], [sflag:$0x15], $0x40, $0x38;
	[tilespmem:$0x400] =	vst v63  }
0x66: {  	_ =	swait.ge [sflag:s12], $0x40  }
0x67: {  	[sflag:s12] =	ssyncset.done $0x0  }
0x68: {  	s29 =	rddreg [dreg:$0x11];
	[sflag:s12] =	ssyncadd.s32 $0xFFFFFFC0  }
0x69: {  	[hbm4b:s29+s2] =	stream.linear.scatter [tilespmem:s13], [sflag:$0x16], $0x40, $0x38;
	[tilespmem:$0x400] =	vst v63  }
0x6a: {  	_ =	swait.ge [sflag:s1], $0x40  }
0x6b: {  	[sflag:s1] =	ssyncset.done $0x0  }
0x6c: {  	s29 =	rddreg [dreg:$0x12];
	[sflag:s1] =	ssyncadd.s32 $0xFFFFFFC0  }
0x6d: {  	[hbm4b:s29+s2] =	stream.linear.scatter [tilespmem:s4], [sflag:$0x17], $0x40, $0x38;
	[tilespmem:$0x400] =	vst v63  }
0x6e: {  	_ =	swait.ge [sflag:s25], $0x40  }
0x6f: {  	[sflag:s25] =	ssyncset.done $0x0  }
0x70: {  	s29 =	rddreg [dreg:$0x13];
	[sflag:s25] =	ssyncadd.s32 $0xFFFFFFC0  }
0x71: {  	[hbm4b:s29+s2] =	stream.linear.scatter [tilespmem:s30], [sflag:$0x18], $0x40, $0x38;
	[tilespmem:$0x400] =	vst v63  }
0x72: {  	_ =	swait.ge [sflag:s7], $0x40  }
0x73: {  	[sflag:s7] =	ssyncset.done $0x0  }
0x74: {  	[sflag:s7] =	ssyncadd.s32 $0xFFFFFFC0  }
0x75: {  	_ =	swait.ge [sflag:s6], $0x40  }
0x76: {  	[sflag:s6] =	ssyncset.done $0x0  }
0x77: {  	[sflag:s6] =	ssyncadd.s32 $0xFFFFFFC0  }
0x78: {  	_ =	swait.ge [sflag:s11], $0x40  }
0x79: {  	[sflag:s11] =	ssyncset.done $0x0  }
0x7a: {  	[sflag:s11] =	ssyncadd.s32 $0xFFFFFFC0  }
0x7b: {  	_ =	swait.ge [sflag:s10], $0x40  }
0x7c: {  	s19 =	simm.s32 $0x16;
	[sflag:s10] =	ssyncset.done $0x0  }
0x7d: {  	s15 =	simm.s32 $0x15;
	p1 =	sne.s32 s8, $0x1;
	[sflag:s10] =	ssyncadd.s32 $0xFFFFFFC0  }
0x7e: {  	p0 =	por $0x1, $0x1;
	s24 =	simm.s32 $0x140;
	_ =	swait.ge [sflag:s15], $0x40  }
0x7f: {  	s21 =	simm.s32 $0x180;
	s26 =	simm.s32 $0xB;
	[sflag:s15] =	ssyncset.done $0x0  }
0x80: {  	s28 =	simm.s32 $0x10;
	s23 =	simm.s32 $0xC;
	[sflag:s15] =	ssyncadd.s32 $0xFFFFFFC0  }
0x81: {  	s22 =	simm.s32 $0x11;
	s18 =	simm.s32 $0xD;
	_ =	swait.ge [sflag:s19], $0x40  }
0x82: {  	s17 =	simm.s32 $0x12;
	s12 =	simm.s32 $0xE;
	[sflag:s19] =	ssyncset.done $0x0  }
0x83: {  	s13 =	simm.s32 $0x13;
	s30 =	simm.s32 $0x17;
	[sflag:s19] =	ssyncadd.s32 $0xFFFFFFC0  }
.Ltmp1:
0x84: {  	s1 =	simm.s32 $0xF;
	_ =	swait.ge [sflag:s30], $0x40;
	(pc) =	sbr.rel @!p1 .LBB2_6-.Ltmp1, $4  }
0x85: {  	s4 =	simm.s32 $0x100;
	s29 =	sadd.s32 $0xFFFFFFFF, s8;
	[sflag:s30] =	ssyncset.done $0x0  }
0x86: {  	s7 =	simm.s32 $0x16;
	s6 =	simm.s32 $0x17;
	[sflag:s30] =	ssyncadd.s32 $0xFFFFFFC0  }
0x87: {  	s11 =	simm.s32 $0x14;
	s10 =	simm.s32 $0x15;
	_ =	swait.ge [sflag:s5], $0x40  }
0x88: {  	s31 =	rddreg [dreg:$0x4];
	[sflag:s5] =	ssyncset.done $0x0;
	s5 =	simm.s32 $0x18  }
0x89: {  	s16 =	simm.s32 $0x200;
	s14 =	simm.s32 $0x240  }
0x8a: {  	s19 =	simm.s32 $0x280;
	s9 =	simm.s32 $0x2C0;
	s8 =	simm.s32 $0x380  }
.LBB2_3:
0x8b: {  	[sflag:s5] =	ssyncadd.s32 $0xFFFFFFC0  }
0x8c: {  	[tilespmem:s2], [sflag:$0x1] =	stream.linear.gather [hbm4b:s31+s2], $0x40, $0x38;
	[tilespmem:$0x400] =	vst v63  }
0x8d: {  	s0 =	rddreg [dreg:$0x5]  }
0x8e: {  	[tilespmem:s20], [sflag:$0x2] =	stream.linear.gather [hbm4b:s0+s2], $0x40, $0x38;
	[tilespmem:$0x400] =	vst v63  }
0x8f: {  	s30 =	simm.s32 $0x80;
	s31 =	rddreg [dreg:$0x6]  }
0x90: {  	[tilespmem:s30], [sflag:$0x3] =	stream.linear.gather [hbm4b:s31+s2], $0x40, $0x38;
	[tilespmem:$0x400] =	vst v63  }
0x91: {  	s15 =	rddreg [dreg:$0x7];
	s25 =	simm.s32 $0xC0  }
0x92: {  	[tilespmem:s25], [sflag:$0x4] =	stream.linear.gather [hbm4b:s15+s2], $0x40, $0x38;
	[tilespmem:$0x400] =	vst v63  }
0x93: {  	s31 =	rddreg [dreg:$0x8]  }
0x94: {  	[tilespmem:s4], [sflag:$0x5] =	stream.linear.gather [hbm4b:s31+s2], $0x40, $0x38;
	[tilespmem:$0x400] =	vst v63  }
0x95: {  	s15 =	rddreg [dreg:$0x9]  }
0x96: {  	[tilespmem:s24], [sflag:$0x6] =	stream.linear.gather [hbm4b:s15+s2], $0x40, $0x38;
	[tilespmem:$0x400] =	vst v63  }
0x97: {  	s31 =	rddreg [dreg:$0xa]  }
0x98: {  	[tilespmem:s21], [sflag:$0x7] =	stream.linear.gather [hbm4b:s31+s2], $0x40, $0x38;
	[tilespmem:$0x400] =	vst v63  }
0x99: {  	s0 =	rddreg [dreg:$0xb];
	s15 =	simm.s32 $0x1C0  }
0x9a: {  	[tilespmem:s15], [sflag:$0x8] =	stream.linear.gather [hbm4b:s0+s2], $0x40, $0x38;
	[tilespmem:$0x400] =	vst v63  }
0x9b: {  	s0 =	simm.s32 $0x1  }
0x9c: {  	_ =	swait.ge [sflag:s0], $0x40  }
0x9d: {  	[sflag:s0] =	ssyncset.done $0x0  }
0x9e: {  	[sflag:s0] =	ssyncadd.s32 $0xFFFFFFC0;
	s0 =	simm.s32 $0x2  }
0x9f: {  	[tilespmem:s16], [sflag:$0x9] =	stream.indirect.gather [hbm4b:s3+s20], $0x1, s2, s20, $0xb8;
	[tilespmem:$0x400] =	vst v63  }
0xa0: {  	_ =	swait.ge [sflag:s0], $0x40  }
0xa1: {  	[sflag:s0] =	ssyncset.done $0x0  }
0xa2: {  	[sflag:s0] =	ssyncadd.s32 $0xFFFFFFC0;
	s0 =	simm.s32 $0x3  }
0xa3: {  	[tilespmem:s14], [sflag:$0xA] =	stream.indirect.gather [hbm4b:s3+s20], $0x1, s20, s20, $0xb8;
	[tilespmem:$0x400] =	vst v63  }
0xa4: {  	_ =	swait.ge [sflag:s0], $0x40  }
0xa5: {  	[sflag:s0] =	ssyncset.done $0x0  }
0xa6: {  	[sflag:s0] =	ssyncadd.s32 $0xFFFFFFC0  }
0xa7: {  	[tilespmem:s19], [sflag:$0xB] =	stream.indirect.gather [hbm4b:s3+s20], $0x1, s30, s20, $0xb8;
	[tilespmem:$0x400] =	vst v63  }
0xa8: {  	s30 =	simm.s32 $0x4  }
0xa9: {  	_ =	swait.ge [sflag:s30], $0x40  }
0xaa: {  	[sflag:s30] =	ssyncset.done $0x0  }
0xab: {  	[sflag:s30] =	ssyncadd.s32 $0xFFFFFFC0  }
0xac: {  	[tilespmem:s9], [sflag:$0xC] =	stream.indirect.gather [hbm4b:s3+s20], $0x1, s25, s20, $0xb8;
	[tilespmem:$0x400] =	vst v63  }
0xad: {  	s25 =	simm.s32 $0x5  }
0xae: {  	_ =	swait.ge [sflag:s25], $0x40  }
0xaf: {  	[sflag:s25] =	ssyncset.done $0x0  }
0xb0: {  	s31 =	simm.s32 $0x300;
	s30 =	simm.s32 $0x6;
	[sflag:s25] =	ssyncadd.s32 $0xFFFFFFC0  }
0xb1: {  	[tilespmem:s31], [sflag:$0xD] =	stream.indirect.gather [hbm4b:s3+s20], $0x1, s4, s20, $0xb8;
	[tilespmem:$0x400] =	vst v63  }
0xb2: {  	_ =	swait.ge [sflag:s30], $0x40  }
0xb3: {  	[sflag:s30] =	ssyncset.done $0x0  }
0xb4: {  	s25 =	simm.s32 $0x7;
	[sflag:s30] =	ssyncadd.s32 $0xFFFFFFC0;
	s30 =	simm.s32 $0x340  }
0xb5: {  	[tilespmem:s30], [sflag:$0xE] =	stream.indirect.gather [hbm4b:s3+s20], $0x1, s24, s20, $0xb8;
	[tilespmem:$0x400] =	vst v63  }
0xb6: {  	_ =	swait.ge [sflag:s25], $0x40  }
0xb7: {  	[sflag:s25] =	ssyncset.done $0x0  }
0xb8: {  	[sflag:s25] =	ssyncadd.s32 $0xFFFFFFC0;
	s25 =	simm.s32 $0x8  }
0xb9: {  	[tilespmem:s8], [sflag:$0xF] =	stream.indirect.gather [hbm4b:s3+s20], $0x1, s21, s20, $0xb8;
	[tilespmem:$0x400] =	vst v63  }
0xba: {  	_ =	swait.ge [sflag:s25], $0x40  }
0xbb: {  	[sflag:s25] =	ssyncset.done $0x0  }
0xbc: {  	[sflag:s25] =	ssyncadd.s32 $0xFFFFFFC0;
	s25 =	simm.s32 $0x3C0  }
0xbd: {  	[tilespmem:s25], [sflag:$0x10] =	stream.indirect.gather [hbm4b:s3+s20], $0x1, s15, s20, $0xb8;
	[tilespmem:$0x400] =	vst v63  }
0xbe: {  	s15 =	simm.s32 $0x9  }
0xbf: {  	_ =	swait.ge [sflag:s15], $0x40  }
0xc0: {  	[sflag:s15] =	ssyncset.done $0x0  }
0xc1: {  	s0 =	rddreg [dreg:$0xc];
	[sflag:s15] =	ssyncadd.s32 $0xFFFFFFC0;
	s15 =	simm.s32 $0xA  }
0xc2: {  	[hbm4b:s0+s2] =	stream.linear.scatter [tilespmem:s16], [sflag:$0x11], $0x40, $0x38;
	[tilespmem:$0x400] =	vst v63  }
0xc3: {  	_ =	swait.ge [sflag:s15], $0x40  }
0xc4: {  	[sflag:s15] =	ssyncset.done $0x0  }
0xc5: {  	s0 =	rddreg [dreg:$0xd];
	[sflag:s15] =	ssyncadd.s32 $0xFFFFFFC0  }
0xc6: {  	[hbm4b:s0+s2] =	stream.linear.scatter [tilespmem:s14], [sflag:$0x12], $0x40, $0x38;
	[tilespmem:$0x400] =	vst v63  }
0xc7: {  	_ =	swait.ge [sflag:s26], $0x40  }
0xc8: {  	[sflag:s26] =	ssyncset.done $0x0  }
0xc9: {  	s15 =	rddreg [dreg:$0xe];
	[sflag:s26] =	ssyncadd.s32 $0xFFFFFFC0  }
0xca: {  	[hbm4b:s15+s2] =	stream.linear.scatter [tilespmem:s19], [sflag:$0x13], $0x40, $0x38;
	[tilespmem:$0x400] =	vst v63  }
0xcb: {  	_ =	swait.ge [sflag:s23], $0x40  }
0xcc: {  	[sflag:s23] =	ssyncset.done $0x0  }
0xcd: {  	s15 =	rddreg [dreg:$0xf];
	[sflag:s23] =	ssyncadd.s32 $0xFFFFFFC0  }
0xce: {  	[hbm4b:s15+s2] =	stream.linear.scatter [tilespmem:s9], [sflag:$0x14], $0x40, $0x38;
	[tilespmem:$0x400] =	vst v63  }
0xcf: {  	_ =	swait.ge [sflag:s18], $0x40  }
0xd0: {  	[sflag:s18] =	ssyncset.done $0x0  }
0xd1: {  	s15 =	rddreg [dreg:$0x10];
	[sflag:s18] =	ssyncadd.s32 $0xFFFFFFC0  }
0xd2: {  	[hbm4b:s15+s2] =	stream.linear.scatter [tilespmem:s31], [sflag:$0x15], $0x40, $0x38;
	[tilespmem:$0x400] =	vst v63  }
0xd3: {  	_ =	swait.ge [sflag:s12], $0x40  }
0xd4: {  	[sflag:s12] =	ssyncset.done $0x0  }
0xd5: {  	s15 =	rddreg [dreg:$0x11];
	[sflag:s12] =	ssyncadd.s32 $0xFFFFFFC0  }
0xd6: {  	[hbm4b:s15+s2] =	stream.linear.scatter [tilespmem:s30], [sflag:$0x16], $0x40, $0x38;
	[tilespmem:$0x400] =	vst v63  }
0xd7: {  	_ =	swait.ge [sflag:s1], $0x40  }
0xd8: {  	[sflag:s1] =	ssyncset.done $0x0  }
0xd9: {  	s15 =	rddreg [dreg:$0x12];
	[sflag:s1] =	ssyncadd.s32 $0xFFFFFFC0  }
0xda: {  	[hbm4b:s15+s2] =	stream.linear.scatter [tilespmem:s8], [sflag:$0x17], $0x40, $0x38;
	[tilespmem:$0x400] =	vst v63  }
0xdb: {  	_ =	swait.ge [sflag:s28], $0x40  }
0xdc: {  	[sflag:s28] =	ssyncset.done $0x0  }
0xdd: {  	s30 =	rddreg [dreg:$0x13];
	[sflag:s28] =	ssyncadd.s32 $0xFFFFFFC0  }
0xde: {  	[hbm4b:s30+s2] =	stream.linear.scatter [tilespmem:s25], [sflag:$0x18], $0x40, $0x38;
	[tilespmem:$0x400] =	vst v63  }
0xdf: {  	_ =	swait.ge [sflag:s22], $0x40  }
0xe0: {  	[sflag:s22] =	ssyncset.done $0x0  }
0xe1: {  	[sflag:s22] =	ssyncadd.s32 $0xFFFFFFC0  }
0xe2: {  	_ =	swait.ge [sflag:s17], $0x40  }
0xe3: {  	[sflag:s17] =	ssyncset.done $0x0  }
0xe4: {  	[sflag:s17] =	ssyncadd.s32 $0xFFFFFFC0  }
0xe5: {  	_ =	swait.ge [sflag:s13], $0x40  }
0xe6: {  	[sflag:s13] =	ssyncset.done $0x0  }
0xe7: {  	[sflag:s13] =	ssyncadd.s32 $0xFFFFFFC0  }
0xe8: {  	_ =	swait.ge [sflag:s11], $0x40  }
0xe9: {  	[sflag:s11] =	ssyncset.done $0x0  }
0xea: {  	[sflag:s11] =	ssyncadd.s32 $0xFFFFFFC0  }
0xeb: {  	_ =	swait.ge [sflag:s10], $0x40  }
0xec: {  	[sflag:s10] =	ssyncset.done $0x0  }
0xed: {  	[sflag:s10] =	ssyncadd.s32 $0xFFFFFFC0  }
0xee: {  	_ =	swait.ge [sflag:s7], $0x40  }
0xef: {  	[sflag:s7] =	ssyncset.done $0x0  }
0xf0: {  	p1 =	sne.s32 s29, $0x1;
	[sflag:s7] =	ssyncadd.s32 $0xFFFFFFC0  }
.Ltmp2:
0xf1: {  	_ =	swait.ge [sflag:s6], $0x40;
	(pc) =	sbr.rel @p1 .LBB2_3-.Ltmp2, $4  }
0xf2: {  	[sflag:s6] =	ssyncset.done $0x0  }
0xf3: {  	[sflag:s6] =	ssyncadd.s32 $0xFFFFFFC0  }
0xf4: {  	_ =	swait.ge [sflag:s5], $0x40  }
0xf5: {  	s29 =	sadd.s32 $0xFFFFFFFF, s29;
	s31 =	rddreg [dreg:$0x4];
	[sflag:s5] =	ssyncset.done $0x0  }
0xf6: {  	s5 =	simm.s32 $0x18;
	s10 =	simm.s32 $0x14;
	s11 =	simm.s32 $0x13  }
0xf7: {  	s13 =	simm.s32 $0x340;
	s6 =	simm.s32 $0x12;
	s17 =	simm.s32 $0x300  }
0xf8: {  	s7 =	simm.s32 $0x11;
	s22 =	simm.s32 $0x2C0;
	s25 =	simm.s32 $0x10  }
0xf9: {  	s28 =	simm.s32 $0x280;
	s1 =	simm.s32 $0xF;
	s9 =	simm.s32 $0x240  }
0xfa: {  	s12 =	simm.s32 $0xE;
	s14 =	simm.s32 $0x200;
	s16 =	simm.s32 $0x1C0  }
0xfb: {  	s18 =	simm.s32 $0xD;
	s21 =	simm.s32 $0x180;
	s23 =	simm.s32 $0xC  }
0xfc: {  	s24 =	simm.s32 $0x140;
	s26 =	simm.s32 $0xB;
	s30 =	simm.s32 $0x100  }
.LBB2_5:
0xfd: {  	[sflag:s5] =	ssyncadd.s32 @p0 $0xFFFFFFC0  }
0xfe: {  	[tilespmem:s2], [sflag:$0x1] =	stream.linear.gather [hbm4b:s31+s2], $0x40, $0x38;
	[tilespmem:$0x400] =	vst v63  }
0xff: {  	s0 =	rddreg [dreg:$0x5]  }
0x100: {  	[tilespmem:s20], [sflag:$0x2] =	stream.linear.gather [hbm4b:s0+s2], $0x40, $0x38;
	[tilespmem:$0x400] =	vst v63  }
0x101: {  	s29 =	rddreg [dreg:$0x6];
	s5 =	simm.s32 $0x80  }
0x102: {  	[tilespmem:s5], [sflag:$0x3] =	stream.linear.gather [hbm4b:s29+s2], $0x40, $0x38;
	[tilespmem:$0x400] =	vst v63  }
0x103: {  	s15 =	rddreg [dreg:$0x7];
	s4 =	simm.s32 $0xC0  }
0x104: {  	[tilespmem:s4], [sflag:$0x4] =	stream.linear.gather [hbm4b:s15+s2], $0x40, $0x38;
	[tilespmem:$0x400] =	vst v63  }
0x105: {  	s19 =	rddreg [dreg:$0x8]  }
0x106: {  	[tilespmem:s30], [sflag:$0x5] =	stream.linear.gather [hbm4b:s19+s2], $0x40, $0x38;
	[tilespmem:$0x400] =	vst v63  }
0x107: {  	s31 =	rddreg [dreg:$0x9]  }
0x108: {  	[tilespmem:s24], [sflag:$0x6] =	stream.linear.gather [hbm4b:s31+s2], $0x40, $0x38;
	[tilespmem:$0x400] =	vst v63  }
0x109: {  	s8 =	rddreg [dreg:$0xa]  }
0x10a: {  	[tilespmem:s21], [sflag:$0x7] =	stream.linear.gather [hbm4b:s8+s2], $0x40, $0x38;
	[tilespmem:$0x400] =	vst v63  }
0x10b: {  	s15 =	rddreg [dreg:$0xb];
	s19 =	simm.s32 $0x1  }
0x10c: {  	[tilespmem:s16], [sflag:$0x8] =	stream.linear.gather [hbm4b:s15+s2], $0x40, $0x38;
	[tilespmem:$0x400] =	vst v63  }
0x10d: {  	_ =	swait.ge [sflag:s19], $0x40  }
0x10e: {  	[sflag:s19] =	ssyncset.done $0x0  }
0x10f: {  	s29 =	simm.s32 $0x2;
	[sflag:s19] =	ssyncadd.s32 $0xFFFFFFC0  }
0x110: {  	[tilespmem:s14], [sflag:$0x9] =	stream.indirect.gather [hbm4b:s3+s20], $0x1, s2, s20, $0xb8;
	[tilespmem:$0x400] =	vst v63  }
0x111: {  	_ =	swait.ge [sflag:s29], $0x40  }
0x112: {  	[sflag:s29] =	ssyncset.done $0x0  }
0x113: {  	s31 =	simm.s32 $0x3;
	[sflag:s29] =	ssyncadd.s32 $0xFFFFFFC0  }
0x114: {  	[tilespmem:s9], [sflag:$0xA] =	stream.indirect.gather [hbm4b:s3+s20], $0x1, s20, s20, $0xb8;
	[tilespmem:$0x400] =	vst v63  }
0x115: {  	_ =	swait.ge [sflag:s31], $0x40  }
0x116: {  	[sflag:s31] =	ssyncset.done $0x0  }
0x117: {  	s8 =	simm.s32 $0x4;
	[sflag:s31] =	ssyncadd.s32 $0xFFFFFFC0  }
0x118: {  	[tilespmem:s28], [sflag:$0xB] =	stream.indirect.gather [hbm4b:s3+s20], $0x1, s5, s20, $0xb8;
	[tilespmem:$0x400] =	vst v63  }
0x119: {  	_ =	swait.ge [sflag:s8], $0x40  }
0x11a: {  	[sflag:s8] =	ssyncset.done $0x0  }
0x11b: {  	s15 =	simm.s32 $0x5;
	[sflag:s8] =	ssyncadd.s32 $0xFFFFFFC0  }
0x11c: {  	[tilespmem:s22], [sflag:$0xC] =	stream.indirect.gather [hbm4b:s3+s20], $0x1, s4, s20, $0xb8;
	[tilespmem:$0x400] =	vst v63  }
0x11d: {  	_ =	swait.ge [sflag:s15], $0x40  }
0x11e: {  	[sflag:s15] =	ssyncset.done $0x0  }
0x11f: {  	s19 =	simm.s32 $0x6;
	[sflag:s15] =	ssyncadd.s32 $0xFFFFFFC0  }
0x120: {  	[tilespmem:s17], [sflag:$0xD] =	stream.indirect.gather [hbm4b:s3+s20], $0x1, s30, s20, $0xb8;
	[tilespmem:$0x400] =	vst v63  }
0x121: {  	_ =	swait.ge [sflag:s19], $0x40  }
0x122: {  	[sflag:s19] =	ssyncset.done $0x0  }
0x123: {  	s29 =	simm.s32 $0x7;
	[sflag:s19] =	ssyncadd.s32 $0xFFFFFFC0  }
0x124: {  	[tilespmem:s13], [sflag:$0xE] =	stream.indirect.gather [hbm4b:s3+s20], $0x1, s24, s20, $0xb8;
	[tilespmem:$0x400] =	vst v63  }
0x125: {  	_ =	swait.ge [sflag:s29], $0x40  }
0x126: {  	[sflag:s29] =	ssyncset.done $0x0  }
0x127: {  	s8 =	simm.s32 $0x380;
	s30 =	simm.s32 $0x8;
	[sflag:s29] =	ssyncadd.s32 $0xFFFFFFC0  }
0x128: {  	[tilespmem:s8], [sflag:$0xF] =	stream.indirect.gather [hbm4b:s3+s20], $0x1, s21, s20, $0xb8;
	[tilespmem:$0x400] =	vst v63  }
0x129: {  	_ =	swait.ge [sflag:s30], $0x40  }
0x12a: {  	[sflag:s30] =	ssyncset.done $0x0  }
0x12b: {  	s0 =	simm.s32 $0x9;
	s31 =	simm.s32 $0x3C0;
	[sflag:s30] =	ssyncadd.s32 $0xFFFFFFC0  }
0x12c: {  	[tilespmem:s31], [sflag:$0x10] =	stream.indirect.gather [hbm4b:s3+s20], $0x1, s16, s20, $0xb8;
	[tilespmem:$0x400] =	vst v63  }
0x12d: {  	_ =	swait.ge [sflag:s0], $0x40  }
0x12e: {  	[sflag:s0] =	ssyncset.done $0x0  }
0x12f: {  	s16 =	simm.s32 $0xA;
	s15 =	rddreg [dreg:$0xc];
	[sflag:s0] =	ssyncadd.s32 $0xFFFFFFC0  }
0x130: {  	[hbm4b:s15+s2] =	stream.linear.scatter [tilespmem:s14], [sflag:$0x11], $0x40, $0x38;
	[tilespmem:$0x400] =	vst v63  }
0x131: {  	_ =	swait.ge [sflag:s16], $0x40  }
0x132: {  	[sflag:s16] =	ssyncset.done $0x0  }
0x133: {  	s19 =	rddreg [dreg:$0xd];
	[sflag:s16] =	ssyncadd.s32 $0xFFFFFFC0  }
0x134: {  	[hbm4b:s19+s2] =	stream.linear.scatter [tilespmem:s9], [sflag:$0x12], $0x40, $0x38;
	[tilespmem:$0x400] =	vst v63  }
0x135: {  	_ =	swait.ge [sflag:s26], $0x40  }
0x136: {  	[sflag:s26] =	ssyncset.done $0x0  }
0x137: {  	s20 =	rddreg [dreg:$0xe];
	[sflag:s26] =	ssyncadd.s32 $0xFFFFFFC0  }
0x138: {  	[hbm4b:s20+s2] =	stream.linear.scatter [tilespmem:s28], [sflag:$0x13], $0x40, $0x38;
	[tilespmem:$0x400] =	vst v63  }
0x139: {  	_ =	swait.ge [sflag:s23], $0x40  }
0x13a: {  	[sflag:s23] =	ssyncset.done $0x0  }
0x13b: {  	s21 =	rddreg [dreg:$0xf];
	[sflag:s23] =	ssyncadd.s32 $0xFFFFFFC0  }
0x13c: {  	[hbm4b:s21+s2] =	stream.linear.scatter [tilespmem:s22], [sflag:$0x14], $0x40, $0x38;
	[tilespmem:$0x400] =	vst v63  }
0x13d: {  	_ =	swait.ge [sflag:s18], $0x40  }
0x13e: {  	[sflag:s18] =	ssyncset.done $0x0  }
0x13f: {  	s22 =	rddreg [dreg:$0x10];
	[sflag:s18] =	ssyncadd.s32 $0xFFFFFFC0  }
0x140: {  	[hbm4b:s22+s2] =	stream.linear.scatter [tilespmem:s17], [sflag:$0x15], $0x40, $0x38;
	[tilespmem:$0x400] =	vst v63  }
0x141: {  	_ =	swait.ge [sflag:s12], $0x40  }
0x142: {  	[sflag:s12] =	ssyncset.done $0x0  }
0x143: {  	s23 =	rddreg [dreg:$0x11];
	[sflag:s12] =	ssyncadd.s32 $0xFFFFFFC0  }
0x144: {  	[hbm4b:s23+s2] =	stream.linear.scatter [tilespmem:s13], [sflag:$0x16], $0x40, $0x38;
	[tilespmem:$0x400] =	vst v63  }
0x145: {  	_ =	swait.ge [sflag:s1], $0x40  }
0x146: {  	[sflag:s1] =	ssyncset.done $0x0  }
0x147: {  	s24 =	rddreg [dreg:$0x12];
	[sflag:s1] =	ssyncadd.s32 $0xFFFFFFC0  }
0x148: {  	[hbm4b:s24+s2] =	stream.linear.scatter [tilespmem:s8], [sflag:$0x17], $0x40, $0x38;
	[tilespmem:$0x400] =	vst v63  }
0x149: {  	_ =	swait.ge [sflag:s25], $0x40  }
0x14a: {  	[sflag:s25] =	ssyncset.done $0x0  }
0x14b: {  	s26 =	rddreg [dreg:$0x13];
	[sflag:s25] =	ssyncadd.s32 $0xFFFFFFC0  }
0x14c: {  	[hbm4b:s26+s2] =	stream.linear.scatter [tilespmem:s31], [sflag:$0x18], $0x40, $0x38;
	[tilespmem:$0x400] =	vst v63  }
0x14d: {  	_ =	swait.ge [sflag:s7], $0x40  }
0x14e: {  	[sflag:s7] =	ssyncset.done $0x0  }
0x14f: {  	[sflag:s7] =	ssyncadd.s32 $0xFFFFFFC0  }
0x150: {  	_ =	swait.ge [sflag:s6], $0x40  }
0x151: {  	[sflag:s6] =	ssyncset.done $0x0  }
0x152: {  	[sflag:s6] =	ssyncadd.s32 $0xFFFFFFC0  }
0x153: {  	_ =	swait.ge [sflag:s11], $0x40  }
0x154: {  	[sflag:s11] =	ssyncset.done $0x0  }
0x155: {  	[sflag:s11] =	ssyncadd.s32 $0xFFFFFFC0  }
0x156: {  	_ =	swait.ge [sflag:s10], $0x40  }
0x157: {  	[sflag:s10] =	ssyncset.done $0x0  }
0x158: {  	s28 =	simm.s32 $0x15;
	[sflag:s10] =	ssyncadd.s32 $0xFFFFFFC0  }
0x159: {  	_ =	swait.ge [sflag:s28], $0x40  }
0x15a: {  	[sflag:s28] =	ssyncset.done $0x0  }
0x15b: {  	s29 =	simm.s32 $0x16;
	[sflag:s28] =	ssyncadd.s32 $0xFFFFFFC0  }
0x15c: {  	_ =	swait.ge [sflag:s29], $0x40  }
0x15d: {  	[sflag:s29] =	ssyncset.done $0x0  }
0x15e: {  	s30 =	simm.s32 $0x17;
	[sflag:s29] =	ssyncadd.s32 $0xFFFFFFC0  }
0x15f: {  	_ =	swait.ge [sflag:s30], $0x40  }
0x160: {  	[sflag:s30] =	ssyncset.done $0x0  }
0x161: {  	s5 =	simm.s32 $0x18;
	[sflag:s30] =	ssyncadd.s32 $0xFFFFFFC0  }
0x162: {  	_ =	swait.ge [sflag:s5], $0x40  }
0x163: {  	[sflag:s5] =	ssyncset.done $0x0  }
0x164: {  	[sflag:s5] =	ssyncadd.s32 $0xFFFFFFC0  }
0x165: {  	_ =	sfence.sel $0x180000  }
0x166: {  	[bflag:$0x0] =	sbarrier.arrive $0xFFFF  }
0x167: {  	_ =	strace $0x90000047  }
0x168: {  	s31 =	stileid.u32;
	[bflag:$0x2] =	sbarrier.arrive $0xFFFF  }
0x169: {  	p0 =	sne.s32 s31, $0x0;
	s0 =	rddreg [dreg:$0x3]  }
0x16a: {  	s0 =	sadd.s32 @!p0 $0x100000, s0  }
0x16b: {  	[sflag:s0] =	ssyncadd.tile.s32 @!p0 $0x1;
	_ =	shalt  }
.LBB2_6:
0x16c: {  	s5 =	simm.s32 $0x18  }
0x16d: {  	s10 =	simm.s32 $0x14;
	s11 =	simm.s32 $0x13;
	s13 =	simm.s32 $0x340  }
0x16e: {  	s6 =	simm.s32 $0x12;
	s17 =	simm.s32 $0x300;
	s7 =	simm.s32 $0x11  }
.Ltmp3:
0x16f: {  	s22 =	simm.s32 $0x2C0;
	s25 =	simm.s32 $0x10;
	(pc) =	sbr.rel .LBB2_5-.Ltmp3, $4  }
0x170: {  	s28 =	simm.s32 $0x280;
	s1 =	simm.s32 $0xF;
	s9 =	simm.s32 $0x240  }
0x171: {  	s12 =	simm.s32 $0xE;
	s14 =	simm.s32 $0x200;
	s16 =	simm.s32 $0x1C0  }
0x172: {  	s18 =	simm.s32 $0xD;
	s21 =	simm.s32 $0x180;
	s23 =	simm.s32 $0xC  }
0x173: {  	s24 =	simm.s32 $0x140;
	s26 =	simm.s32 $0xB;
	s30 =	simm.s32 $0x100  }
.Lfunc_end2:
_tile_overlayer_lowered:
.L_overlay_start_2:
0x174: {  	(tag) =	ssettag $0x2  }
0x175: {  	s0 =	rddreg [dreg:$0x0];
	s2 =	stileid.u32  }
0x176: {  	s1 =	rddreg [dreg:$0x1];
	p0 =	sne.s32 s2, $0x0  }
0x177: {  	s3 =	rddreg [dreg:$0x2];
	[bflag:$0x3] =	sbarrier.arrive $0xFFFF;
	s2 =	simm.s32 @!p0 $0x1C19  }
0x178: {  	[timem:s3], [sflag:s2] =	dma.local @!p0 [hbm:s0], s1  }
0x179: {  	s0 =	simm.s32 @!p0 $0x19  }
0x17a: {  	_ =	swait.ge @!p0 [sflag:s0], s1  }
0x17b: {  	s1 =	ssub.s32 @!p0 $0x0, s1;
	[sflag:s0] =	ssyncset.done @!p0 $0x0  }
0x17c: {  	[sflag:s0] =	ssyncadd.s32 @!p0 s1  }
0x17d: {  	[bflag:$0x3] =	sbarrier.arrive $0xFFFF  }
0x17e: {  	_ =	shalt  }

</sc_bundles>
